<compile_context>
chip_gen: v7x
topology: tpu7x:2x2x1
jax: 0.10.2.dev20260603
libtpu: 0.0.44.dev20260713+nightly
codegen_flags: <defaults>
</compile_context>

<pallas_src>
import functools

import jax
import jax.numpy as jnp
from jax import lax
from jax.experimental import pallas as pl
from jax.experimental.pallas import tpu as pltpu
from jax.experimental.pallas import tpu_sc as plsc

N = 10000
D = 128
E = 320000

NC = 2
NS = 16
DH = D // NC
C = 128
CH = 160
E_PAD = NS * CH * C
ROWS_A = 624


def _mm_body(feat_ref, w_ref, out_ref):
    r = jnp.dot(feat_ref[...], w_ref[...], preferred_element_type=jnp.float32)
    out_ref[0] = r[:, :DH].astype(jnp.bfloat16)
    out_ref[1] = r[:, DH:].astype(jnp.bfloat16)


def _support_matmul(feat, W):
    BLK = 1000
    return pl.pallas_call(
        _mm_body,
        grid=(N // BLK,),
        in_specs=[
            pl.BlockSpec((BLK, D), lambda i: (i, 0)),
            pl.BlockSpec((D, D), lambda i: (0, 0)),
        ],
        out_specs=pl.BlockSpec((NC, BLK, DH), lambda i: (0, i, 0)),
        out_shape=jax.ShapeDtypeStruct((NC, N, DH), jnp.bfloat16),
    )(feat, W)


def _sc_body(sup_hbm, srcb_hbm, dstb_hbm, ewb_hbm, zeros_hbm, out_hbm,
             src_v, dst_v, rows0, rows1, rowsq0, rowsq1, ew_v, acc,
             semr0, semr1, semw0, semw1):
    cid = lax.axis_index("c")
    sid = lax.axis_index("s")

    pltpu.sync_copy(srcb_hbm.at[sid], src_v)
    pltpu.sync_copy(dstb_hbm.at[sid], dst_v)
    pltpu.sync_copy(ewb_hbm.at[sid], ew_v)

    pltpu.sync_copy(zeros_hbm, acc.at[pl.ds(sid * ROWS_A, ROWS_A)])

    @pl.when(sid == NS - 1)
    def _():
        pltpu.sync_copy(zeros_hbm.at[pl.ds(0, 16)], acc.at[pl.ds(NS * ROWS_A, 16)])

    plsc.subcore_barrier()

    sup = sup_hbm.at[cid]
    rows = (rows0, rows1)
    rowsq = (rowsq0, rowsq1)
    semr = (semr0, semr1)
    semw = (semw0, semw1)

    def _issue(kk, b):
        pltpu.async_copy(sup.at[src_v.at[kk]], rows[b], semr[b])

    _issue(0, 0)
    _issue(1, 1)

    def _scale_group(g, carry, b, kk):
        w16 = ew_v[kk, pl.ds(g * 16, 16)]
        for u in range(16):
            wb = lax.gather(
                w16, jnp.full((16, 1), u, jnp.int32),
                lax.GatherDimensionNumbers(
                    offset_dims=(), collapsed_slice_dims=(0,),
                    start_index_map=(0,)),
                (1,), mode=lax.GatherScatterMode.PROMISE_IN_BOUNDS)
            wb32 = plsc.pack(wb, wb, format=plsc.PackFormat.INTERLEAVED)
            e = g * 16 + u
            for fb in range(DH // 32):
                prod = rows[b][e, pl.ds(fb * 32, 32)] * wb32
                rowsq[b][e, pl.ds(fb * 32, 32)] = prod.astype(jnp.int16)
        return carry

    def _outer(i, carry):
        k = i * 2
        for b in (0, 1):
            kk = k + b
            pltpu.make_async_copy(sup.at[src_v.at[kk]], rows[b], semr[b]).wait()

            @pl.when(kk >= 2)
            def _():
                pltpu.make_async_copy(
                    rowsq[b], acc.at[dst_v.at[kk - 2]], semw[b]).wait()

            lax.fori_loop(0, C // 16,
                          functools.partial(_scale_group, b=b, kk=kk), 0)
            pltpu.async_copy(rowsq[b], acc.at[dst_v.at[kk]], semw[b], add=True)

            @pl.when(kk + 2 < CH)
            def _():
                _issue(kk + 2, b)
        return carry

    lax.fori_loop(0, CH // 2, _outer, 0)
    pltpu.make_async_copy(rowsq[0], acc.at[dst_v.at[CH - 2]], semw[0]).wait()
    pltpu.make_async_copy(rowsq[1], acc.at[dst_v.at[CH - 1]], semw[1]).wait()
    plsc.subcore_barrier()

    sl = pl.ds(sid * ROWS_A, ROWS_A)
    pltpu.sync_copy(acc.at[sl], out_hbm.at[cid, sl])

    @pl.when(sid == NS - 1)
    def _():
        tl = pl.ds(NS * ROWS_A, 16)
        pltpu.sync_copy(acc.at[tl], out_hbm.at[cid, tl])


def _sc_aggregate(support, srcb, dstb, ewb, zeros):
    mesh = plsc.VectorSubcoreMesh(core_axis_name="c", subcore_axis_name="s")
    f = pl.kernel(
        _sc_body,
        out_type=jax.ShapeDtypeStruct((NC, N, DH), jnp.int16),
        mesh=mesh,
        compiler_params=pltpu.CompilerParams(use_tc_tiling_on_sc=False,
                                             needs_layout_passes=False),
        scratch_types=[
            pltpu.VMEM((CH, C), jnp.int32),
            pltpu.VMEM((CH, C), jnp.int32),
            pltpu.VMEM((C, DH), jnp.bfloat16),
            pltpu.VMEM((C, DH), jnp.bfloat16),
            pltpu.VMEM((C, DH), jnp.int16),
            pltpu.VMEM((C, DH), jnp.int16),
            pltpu.VMEM((CH, C), jnp.float32),
            pltpu.VMEM_SHARED((N, DH), jnp.int16),
            pltpu.SemaphoreType.DMA,
            pltpu.SemaphoreType.DMA,
            pltpu.SemaphoreType.DMA,
            pltpu.SemaphoreType.DMA,
        ],
    )
    return f(support, srcb, dstb, ewb, zeros)


def _fin_body(p_ref, b_ref, out_ref):
    full = jnp.concatenate([p_ref[0], p_ref[1]], axis=1).astype(jnp.float32)
    out_ref[...] = jnp.maximum(full * (1.0 / 256.0) + b_ref[...], 0.0)


def _finalize(partials, b):
    BLK = 1000
    return pl.pallas_call(
        _fin_body,
        grid=(N // BLK,),
        in_specs=[
            pl.BlockSpec((NC, BLK, DH), lambda i: (0, i, 0)),
            pl.BlockSpec((D,), lambda i: (0,)),
        ],
        out_specs=pl.BlockSpec((BLK, D), lambda i: (i, 0)),
        out_shape=jax.ShapeDtypeStruct((N, D), jnp.float32),
    )(partials, b)


def kernel(feat, edge_index, edge_weight, W, b):
    support = _support_matmul(feat, W)

    src = edge_index[0].astype(jnp.int32)
    dst = edge_index[1].astype(jnp.int32)
    ew = edge_weight.astype(jnp.float32)

    pad = E_PAD - E
    srcb = jnp.pad(src, (0, pad)).reshape(NS, CH, C)
    dstb = jnp.pad(dst, (0, pad)).reshape(NS, CH, C)
    ewb = (jnp.pad(ew, (0, pad)) * 256.0).reshape(NS, CH, C)
    zeros = jnp.zeros((ROWS_A, DH), jnp.int16)

    partials = _sc_aggregate(support, srcb, dstb, ewb, zeros)
    return _finalize(partials, b)

# --- scband reference (transcript-rebuilt; emitter-appended) ---
"""Pipeline reference for scband-graph-convolution-60601988546846 (READ-ONLY COPY).

The authoritative reference and input builder live on the scoring server;
editing this copy changes nothing except your own understanding.
"""

import jax, jax.numpy as jnp
import numpy as np

N = 10000
E = 320000
D_IN = 128
D_OUT = 128


def setup_inputs(seed: int = 0) -> dict:
    key = jax.random.key(seed)
    k1, k2, k3, k4, k5 = jax.random.split(key, 5)
    feat = jax.random.normal(k1, (N, D_IN), dtype=jnp.float32)
    edge_index = jax.random.randint(k2, (2, E), 0, N, dtype=jnp.int64)
    edge_weight = jax.random.uniform(k3, (E,), dtype=jnp.float32)
    init_range = np.sqrt(6.0 / (D_IN + D_OUT))
    W = jax.random.uniform(k4, (D_IN, D_OUT), dtype=jnp.float32, minval=-init_range, maxval=init_range)
    b = jax.random.uniform(k5, (D_OUT,), dtype=jnp.float32, minval=-init_range, maxval=init_range)
    return {"feat": feat, "edge_index": edge_index, "edge_weight": edge_weight, "W": W, "b": b}


def reference(feat, edge_index, edge_weight, W, b):
    # dropout p=0.0 (eval) is identity
    support = feat @ W                       # dense mm: [N, D_OUT]
    src = edge_index[0]
    dst = edge_index[1]
    gathered = jnp.take(support, src, axis=0) * edge_weight[:, None]  # gather rows
    out = jax.ops.segment_sum(gathered, dst, num_segments=N)          # sparse mm: adj @ support
    out = out + b
    out = jax.nn.relu(out)
    return out

if __name__ == "__main__":
    import jax
    _d = setup_inputs()
    print(jax.jit(kernel)(*tuple(_d.values())))

</pallas_src>

<mosaic_0001>
#map = affine_map<(d0, d1) -> (0, 0, 0)>
#map1 = affine_map<(d0, d1) -> (0, 0)>
module attributes {stable_mosaic.version = 14 : i64} {
  func.func @_sc_body(%arg0: i32, %arg1: i32, %arg2: memref<2x10000x64xbf16, #tpu.memory_space<hbm>>, %arg3: memref<16x160x128xi32, #tpu.memory_space<hbm>>, %arg4: memref<16x160x128xi32, #tpu.memory_space<hbm>>, %arg5: memref<16x160x128xf32, #tpu.memory_space<hbm>>, %arg6: memref<624x64xi16, #tpu.memory_space<hbm>>, %arg7: memref<2x10000x64xi16, #tpu.memory_space<hbm>>, %arg8: memref<160x128xi32, #tpu.memory_space<vmem>>, %arg9: memref<160x128xi32, #tpu.memory_space<vmem>>, %arg10: memref<128x64xbf16, #tpu.memory_space<vmem>>, %arg11: memref<128x64xbf16, #tpu.memory_space<vmem>>, %arg12: memref<128x64xi16, #tpu.memory_space<vmem>>, %arg13: memref<128x64xi16, #tpu.memory_space<vmem>>, %arg14: memref<160x128xf32, #tpu.memory_space<vmem>>, %arg15: memref<10000x64xi16, #tpu.memory_space<vmem_shared>>, %arg16: memref<!tpu.dma_semaphore, #tpu.memory_space<semaphore_mem>>, %arg17: memref<!tpu.dma_semaphore, #tpu.memory_space<semaphore_mem>>, %arg18: memref<!tpu.dma_semaphore, #tpu.memory_space<semaphore_mem>>, %arg19: memref<!tpu.dma_semaphore, #tpu.memory_space<semaphore_mem>>) attributes {dimension_semantics = [#tpu.dimension_semantics<core_parallel>, #tpu.dimension_semantics<subcore_parallel>], iteration_bounds = array<i64: 2, 16>, scalar_prefetch = 0 : i64, scratch_operands = 12 : i64, tpu.core_type = #tpu.core_type<sc_vector_subcore>, window_params = [{transform_indices = #map}, {transform_indices = #map}, {transform_indices = #map}, {transform_indices = #map}, {transform_indices = #map1}, {transform_indices = #map}]} {
    "tpu.region"() ({
      %run_scoped3A = tpu.sem_alloc : memref<!tpu.dma_semaphore, #tpu.memory_space<semaphore_mem>>
      %dma_start3A_50 = arith.constant 0 : i32
      %dma_start3A_51 = arith.constant 0 : i32
      %dma_start3A_52 = tpu.memref_slice %arg3[%arg1, %dma_start3A_50, %dma_start3A_51] : memref<16x160x128xi32, #tpu.memory_space<hbm>> -> memref<1x160x128xi32, #tpu.memory_space<hbm>>
      %dma_start3A_53 = tpu.memref_squeeze %dma_start3A_52 : memref<1x160x128xi32, #tpu.memory_space<hbm>> -> memref<160x128xi32, #tpu.memory_space<hbm>>
      %dma_start3A_54 = arith.constant 0 : i32
      %dma_start3A_55 = arith.constant 0 : i32
      %dma_start3A_56 = tpu.memref_slice %arg3[%arg1, %dma_start3A_54, %dma_start3A_55] : memref<16x160x128xi32, #tpu.memory_space<hbm>> -> memref<1x160x128xi32, #tpu.memory_space<hbm>>
      %dma_start3A_57 = tpu.memref_squeeze %dma_start3A_56 : memref<1x160x128xi32, #tpu.memory_space<hbm>> -> memref<160x128xi32, #tpu.memory_space<hbm>>
      tpu.enqueue_dma source(%dma_start3A_57 : memref<160x128xi32, #tpu.memory_space<hbm>>) target(%arg8 : memref<160x128xi32, #tpu.memory_space<vmem>>) target_semaphore(%run_scoped3A : memref<!tpu.dma_semaphore, #tpu.memory_space<semaphore_mem>>)
      %dma_wait3A_58 = arith.constant 0 : i32
      %dma_wait3A_59 = arith.constant 0 : i32
      %dma_wait3A_60 = tpu.memref_slice %arg3[%arg1, %dma_wait3A_58, %dma_wait3A_59] : memref<16x160x128xi32, #tpu.memory_space<hbm>> -> memref<1x160x128xi32, #tpu.memory_space<hbm>>
      %dma_wait3A_61 = tpu.memref_squeeze %dma_wait3A_60 : memref<1x160x128xi32, #tpu.memory_space<hbm>> -> memref<160x128xi32, #tpu.memory_space<hbm>>
      %dma_wait3A_62 = arith.constant 0 : i32
      %dma_wait3A_63 = arith.constant 0 : i32
      %dma_wait3A_64 = tpu.memref_slice %arg3[%arg1, %dma_wait3A_62, %dma_wait3A_63] : memref<16x160x128xi32, #tpu.memory_space<hbm>> -> memref<1x160x128xi32, #tpu.memory_space<hbm>>
      %dma_wait3A_65 = tpu.memref_squeeze %dma_wait3A_64 : memref<1x160x128xi32, #tpu.memory_space<hbm>> -> memref<160x128xi32, #tpu.memory_space<hbm>>
      tpu.wait_dma2 semaphore(%run_scoped3A : memref<!tpu.dma_semaphore, #tpu.memory_space<semaphore_mem>>) src(%dma_wait3A_65 : memref<160x128xi32, #tpu.memory_space<hbm>>) dst(%arg8 : memref<160x128xi32, #tpu.memory_space<vmem>>)
      tpu.yield
    }) : () -> ()
    "tpu.region"() ({
      %run_scoped3A = tpu.sem_alloc : memref<!tpu.dma_semaphore, #tpu.memory_space<semaphore_mem>>
      %dma_start3A_50 = arith.constant 0 : i32
      %dma_start3A_51 = arith.constant 0 : i32
      %dma_start3A_52 = tpu.memref_slice %arg4[%arg1, %dma_start3A_50, %dma_start3A_51] : memref<16x160x128xi32, #tpu.memory_space<hbm>> -> memref<1x160x128xi32, #tpu.memory_space<hbm>>
      %dma_start3A_53 = tpu.memref_squeeze %dma_start3A_52 : memref<1x160x128xi32, #tpu.memory_space<hbm>> -> memref<160x128xi32, #tpu.memory_space<hbm>>
      %dma_start3A_54 = arith.constant 0 : i32
      %dma_start3A_55 = arith.constant 0 : i32
      %dma_start3A_56 = tpu.memref_slice %arg4[%arg1, %dma_start3A_54, %dma_start3A_55] : memref<16x160x128xi32, #tpu.memory_space<hbm>> -> memref<1x160x128xi32, #tpu.memory_space<hbm>>
      %dma_start3A_57 = tpu.memref_squeeze %dma_start3A_56 : memref<1x160x128xi32, #tpu.memory_space<hbm>> -> memref<160x128xi32, #tpu.memory_space<hbm>>
      tpu.enqueue_dma source(%dma_start3A_57 : memref<160x128xi32, #tpu.memory_space<hbm>>) target(%arg9 : memref<160x128xi32, #tpu.memory_space<vmem>>) target_semaphore(%run_scoped3A : memref<!tpu.dma_semaphore, #tpu.memory_space<semaphore_mem>>)
      %dma_wait3A_58 = arith.constant 0 : i32
      %dma_wait3A_59 = arith.constant 0 : i32
      %dma_wait3A_60 = tpu.memref_slice %arg4[%arg1, %dma_wait3A_58, %dma_wait3A_59] : memref<16x160x128xi32, #tpu.memory_space<hbm>> -> memref<1x160x128xi32, #tpu.memory_space<hbm>>
      %dma_wait3A_61 = tpu.memref_squeeze %dma_wait3A_60 : memref<1x160x128xi32, #tpu.memory_space<hbm>> -> memref<160x128xi32, #tpu.memory_space<hbm>>
      %dma_wait3A_62 = arith.constant 0 : i32
      %dma_wait3A_63 = arith.constant 0 : i32
      %dma_wait3A_64 = tpu.memref_slice %arg4[%arg1, %dma_wait3A_62, %dma_wait3A_63] : memref<16x160x128xi32, #tpu.memory_space<hbm>> -> memref<1x160x128xi32, #tpu.memory_space<hbm>>
      %dma_wait3A_65 = tpu.memref_squeeze %dma_wait3A_64 : memref<1x160x128xi32, #tpu.memory_space<hbm>> -> memref<160x128xi32, #tpu.memory_space<hbm>>
      tpu.wait_dma2 semaphore(%run_scoped3A : memref<!tpu.dma_semaphore, #tpu.memory_space<semaphore_mem>>) src(%dma_wait3A_65 : memref<160x128xi32, #tpu.memory_space<hbm>>) dst(%arg9 : memref<160x128xi32, #tpu.memory_space<vmem>>)
      tpu.yield
    }) : () -> ()
    "tpu.region"() ({
      %run_scoped3A = tpu.sem_alloc : memref<!tpu.dma_semaphore, #tpu.memory_space<semaphore_mem>>
      %dma_start3A_50 = arith.constant 0 : i32
      %dma_start3A_51 = arith.constant 0 : i32
      %dma_start3A_52 = tpu.memref_slice %arg5[%arg1, %dma_start3A_50, %dma_start3A_51] : memref<16x160x128xf32, #tpu.memory_space<hbm>> -> memref<1x160x128xf32, #tpu.memory_space<hbm>>
      %dma_start3A_53 = tpu.memref_squeeze %dma_start3A_52 : memref<1x160x128xf32, #tpu.memory_space<hbm>> -> memref<160x128xf32, #tpu.memory_space<hbm>>
      %dma_start3A_54 = arith.constant 0 : i32
      %dma_start3A_55 = arith.constant 0 : i32
      %dma_start3A_56 = tpu.memref_slice %arg5[%arg1, %dma_start3A_54, %dma_start3A_55] : memref<16x160x128xf32, #tpu.memory_space<hbm>> -> memref<1x160x128xf32, #tpu.memory_space<hbm>>
      %dma_start3A_57 = tpu.memref_squeeze %dma_start3A_56 : memref<1x160x128xf32, #tpu.memory_space<hbm>> -> memref<160x128xf32, #tpu.memory_space<hbm>>
      tpu.enqueue_dma source(%dma_start3A_57 : memref<160x128xf32, #tpu.memory_space<hbm>>) target(%arg14 : memref<160x128xf32, #tpu.memory_space<vmem>>) target_semaphore(%run_scoped3A : memref<!tpu.dma_semaphore, #tpu.memory_space<semaphore_mem>>)
      %dma_wait3A_58 = arith.constant 0 : i32
      %dma_wait3A_59 = arith.constant 0 : i32
      %dma_wait3A_60 = tpu.memref_slice %arg5[%arg1, %dma_wait3A_58, %dma_wait3A_59] : memref<16x160x128xf32, #tpu.memory_space<hbm>> -> memref<1x160x128xf32, #tpu.memory_space<hbm>>
      %dma_wait3A_61 = tpu.memref_squeeze %dma_wait3A_60 : memref<1x160x128xf32, #tpu.memory_space<hbm>> -> memref<160x128xf32, #tpu.memory_space<hbm>>
      %dma_wait3A_62 = arith.constant 0 : i32
      %dma_wait3A_63 = arith.constant 0 : i32
      %dma_wait3A_64 = tpu.memref_slice %arg5[%arg1, %dma_wait3A_62, %dma_wait3A_63] : memref<16x160x128xf32, #tpu.memory_space<hbm>> -> memref<1x160x128xf32, #tpu.memory_space<hbm>>
      %dma_wait3A_65 = tpu.memref_squeeze %dma_wait3A_64 : memref<1x160x128xf32, #tpu.memory_space<hbm>> -> memref<160x128xf32, #tpu.memory_space<hbm>>
      tpu.wait_dma2 semaphore(%run_scoped3A : memref<!tpu.dma_semaphore, #tpu.memory_space<semaphore_mem>>) src(%dma_wait3A_65 : memref<160x128xf32, #tpu.memory_space<hbm>>) dst(%arg14 : memref<160x128xf32, #tpu.memory_space<vmem>>)
      tpu.yield
    }) : () -> ()
    %mul3A = arith.constant 624 : i32
    %mul3A_0 = arith.muli %arg1, %mul3A : i32
    "tpu.region"() ({
      %run_scoped3A = tpu.sem_alloc : memref<!tpu.dma_semaphore, #tpu.memory_space<semaphore_mem>>
      %dma_start3A_50 = arith.constant 0 : i32
      %dma_start3A_51 = tpu.memref_slice %arg15[%mul3A_0, %dma_start3A_50] : memref<10000x64xi16, #tpu.memory_space<vmem_shared>> -> memref<624x64xi16, #tpu.memory_space<vmem_shared>>
      tpu.enqueue_dma source(%arg6 : memref<624x64xi16, #tpu.memory_space<hbm>>) target(%dma_start3A_51 : memref<624x64xi16, #tpu.memory_space<vmem_shared>>) target_semaphore(%run_scoped3A : memref<!tpu.dma_semaphore, #tpu.memory_space<semaphore_mem>>)
      %dma_wait3A_52 = arith.constant 0 : i32
      %dma_wait3A_53 = tpu.memref_slice %arg15[%mul3A_0, %dma_wait3A_52] : memref<10000x64xi16, #tpu.memory_space<vmem_shared>> -> memref<624x64xi16, #tpu.memory_space<vmem_shared>>
      tpu.wait_dma2 semaphore(%run_scoped3A : memref<!tpu.dma_semaphore, #tpu.memory_space<semaphore_mem>>) src(%arg6 : memref<624x64xi16, #tpu.memory_space<hbm>>) dst(%dma_wait3A_53 : memref<624x64xi16, #tpu.memory_space<vmem_shared>>)
      tpu.yield
    }) : () -> ()
    %eq3A = arith.constant 15 : i32
    %eq3A_1 = arith.cmpi eq, %arg1, %eq3A : i32
    %convert_element_type3A = arith.extui %eq3A_1 : i1 to i32
    %cond3A = arith.constant 0 : i32
    %cond3A_2 = arith.cmpi ne, %convert_element_type3A, %cond3A : i32
    scf.if %cond3A_2 {
      "tpu.region"() ({
        %run_scoped3A = tpu.sem_alloc : memref<!tpu.dma_semaphore, #tpu.memory_space<semaphore_mem>>
        %dma_start3A_50 = arith.constant 9984 : i32
        %dma_start3A_51 = arith.constant 0 : i32
        %dma_start3A_52 = tpu.memref_slice %arg15[%dma_start3A_50, %dma_start3A_51] : memref<10000x64xi16, #tpu.memory_space<vmem_shared>> -> memref<16x64xi16, #tpu.memory_space<vmem_shared>>
        %dma_start3A_53 = arith.constant 0 : i32
        %dma_start3A_54 = arith.constant 0 : i32
        %dma_start3A_55 = tpu.memref_slice %arg6[%dma_start3A_53, %dma_start3A_54] : memref<624x64xi16, #tpu.memory_space<hbm>> -> memref<16x64xi16, #tpu.memory_space<hbm>>
        tpu.enqueue_dma source(%dma_start3A_55 : memref<16x64xi16, #tpu.memory_space<hbm>>) target(%dma_start3A_52 : memref<16x64xi16, #tpu.memory_space<vmem_shared>>) target_semaphore(%run_scoped3A : memref<!tpu.dma_semaphore, #tpu.memory_space<semaphore_mem>>)
        %dma_wait3A_56 = arith.constant 9984 : i32
        %dma_wait3A_57 = arith.constant 0 : i32
        %dma_wait3A_58 = tpu.memref_slice %arg15[%dma_wait3A_56, %dma_wait3A_57] : memref<10000x64xi16, #tpu.memory_space<vmem_shared>> -> memref<16x64xi16, #tpu.memory_space<vmem_shared>>
        %dma_wait3A_59 = arith.constant 0 : i32
        %dma_wait3A_60 = arith.constant 0 : i32
        %dma_wait3A_61 = tpu.memref_slice %arg6[%dma_wait3A_59, %dma_wait3A_60] : memref<624x64xi16, #tpu.memory_space<hbm>> -> memref<16x64xi16, #tpu.memory_space<hbm>>
        tpu.wait_dma2 semaphore(%run_scoped3A : memref<!tpu.dma_semaphore, #tpu.memory_space<semaphore_mem>>) src(%dma_wait3A_61 : memref<16x64xi16, #tpu.memory_space<hbm>>) dst(%dma_wait3A_58 : memref<16x64xi16, #tpu.memory_space<vmem_shared>>)
        tpu.yield
      }) : () -> ()
    } else {
    }
    %barrier3A = arith.constant 0 : index
    tpu.barrier barrier_id(%barrier3A)
    %dma_start3A = arith.constant 0 : i32
    %dma_start3A_3 = arith.constant 0 : i32
    %dma_start3A_4 = tpu.memref_slice %arg8[%dma_start3A, %dma_start3A_3] : memref<160x128xi32, #tpu.memory_space<vmem>> -> memref<1x128xi32, #tpu.memory_space<vmem>>
    %dma_start3A_5 = tpu.memref_squeeze %dma_start3A_4 : memref<1x128xi32, #tpu.memory_space<vmem>> -> memref<128xi32, #tpu.memory_space<vmem>>
    %dma_start3A_6 = arith.constant 0 : i32
    %dma_start3A_7 = arith.constant 0 : i32
    %dma_start3A_8 = tpu.memref_slice %arg2[%arg0, %dma_start3A_6, %dma_start3A_7] : memref<2x10000x64xbf16, #tpu.memory_space<hbm>> -> memref<1x10000x64xbf16, #tpu.memory_space<hbm>>
    %dma_start3A_9 = tpu.memref_squeeze %dma_start3A_8 : memref<1x10000x64xbf16, #tpu.memory_space<hbm>> -> memref<10000x64xbf16, #tpu.memory_space<hbm>>
    %dma_start3A_10 = arith.constant 0 : i32
    %dma_start3A_11 = arith.constant 0 : i32
    %dma_start3A_12 = tpu.memref_slice %dma_start3A_9[%dma_start3A_10, %dma_start3A_11] : memref<10000x64xbf16, #tpu.memory_space<hbm>> -> memref<10000x64xbf16, #tpu.memory_space<hbm>>
    tpu.enqueue_indirect_dma source(%dma_start3A_12 : memref<10000x64xbf16, #tpu.memory_space<hbm>>) target(%arg10 : memref<128x64xbf16, #tpu.memory_space<vmem>>) offsets(%dma_start3A_5 : memref<128xi32, #tpu.memory_space<vmem>>) semaphore(%arg16 : memref<!tpu.dma_semaphore, #tpu.memory_space<semaphore_mem>>)
    %dma_start3A_13 = arith.constant 1 : i32
    %dma_start3A_14 = arith.constant 0 : i32
    %dma_start3A_15 = tpu.memref_slice %arg8[%dma_start3A_13, %dma_start3A_14] : memref<160x128xi32, #tpu.memory_space<vmem>> -> memref<1x128xi32, #tpu.memory_space<vmem>>
    %dma_start3A_16 = tpu.memref_squeeze %dma_start3A_15 : memref<1x128xi32, #tpu.memory_space<vmem>> -> memref<128xi32, #tpu.memory_space<vmem>>
    %dma_start3A_17 = arith.constant 0 : i32
    %dma_start3A_18 = arith.constant 0 : i32
    %dma_start3A_19 = tpu.memref_slice %arg2[%arg0, %dma_start3A_17, %dma_start3A_18] : memref<2x10000x64xbf16, #tpu.memory_space<hbm>> -> memref<1x10000x64xbf16, #tpu.memory_space<hbm>>
    %dma_start3A_20 = tpu.memref_squeeze %dma_start3A_19 : memref<1x10000x64xbf16, #tpu.memory_space<hbm>> -> memref<10000x64xbf16, #tpu.memory_space<hbm>>
    %dma_start3A_21 = arith.constant 0 : i32
    %dma_start3A_22 = arith.constant 0 : i32
    %dma_start3A_23 = tpu.memref_slice %dma_start3A_20[%dma_start3A_21, %dma_start3A_22] : memref<10000x64xbf16, #tpu.memory_space<hbm>> -> memref<10000x64xbf16, #tpu.memory_space<hbm>>
    tpu.enqueue_indirect_dma source(%dma_start3A_23 : memref<10000x64xbf16, #tpu.memory_space<hbm>>) target(%arg11 : memref<128x64xbf16, #tpu.memory_space<vmem>>) offsets(%dma_start3A_16 : memref<128xi32, #tpu.memory_space<vmem>>) semaphore(%arg17 : memref<!tpu.dma_semaphore, #tpu.memory_space<semaphore_mem>>)
    %scan3A = arith.constant 0 : i32
    %scan3A_24 = arith.constant 0 : i32
    %scan3A_25 = arith.constant 80 : i32
    %scan3A_26 = arith.addi %scan3A_24, %scan3A_25 : i32
    %scan3A_27 = arith.constant 1 : i32
    scf.for %scan3A_50 = %scan3A_24 to %scan3A_26 step %scan3A_27  : i32 {
      %mul3A_51 = arith.constant 2 : i32
      %mul3A_52 = arith.muli %scan3A_50, %mul3A_51 : i32
      %add3A = arith.constant 0 : i32
      %add3A_53 = arith.addi %mul3A_52, %add3A : i32
      %dma_wait3A_54 = arith.constant 0 : i32
      %dma_wait3A_55 = tpu.memref_slice %arg8[%add3A_53, %dma_wait3A_54] : memref<160x128xi32, #tpu.memory_space<vmem>> -> memref<1x128xi32, #tpu.memory_space<vmem>>
      %dma_wait3A_56 = tpu.memref_squeeze %dma_wait3A_55 : memref<1x128xi32, #tpu.memory_space<vmem>> -> memref<128xi32, #tpu.memory_space<vmem>>
      %dma_wait3A_57 = arith.constant 0 : i32
      %dma_wait3A_58 = arith.constant 0 : i32
      %dma_wait3A_59 = tpu.memref_slice %arg2[%arg0, %dma_wait3A_57, %dma_wait3A_58] : memref<2x10000x64xbf16, #tpu.memory_space<hbm>> -> memref<1x10000x64xbf16, #tpu.memory_space<hbm>>
      %dma_wait3A_60 = tpu.memref_squeeze %dma_wait3A_59 : memref<1x10000x64xbf16, #tpu.memory_space<hbm>> -> memref<10000x64xbf16, #tpu.memory_space<hbm>>
      %dma_wait3A_61 = arith.constant 0 : i32
      %dma_wait3A_62 = arith.constant 0 : i32
      %dma_wait3A_63 = tpu.memref_slice %dma_wait3A_60[%dma_wait3A_61, %dma_wait3A_62] : memref<10000x64xbf16, #tpu.memory_space<hbm>> -> memref<10000x64xbf16, #tpu.memory_space<hbm>>
      tpu.wait_indirect_dma semaphore(%arg16 : memref<!tpu.dma_semaphore, #tpu.memory_space<semaphore_mem>>) src(%dma_wait3A_63 : memref<10000x64xbf16, #tpu.memory_space<hbm>>) dst(%arg10 : memref<128x64xbf16, #tpu.memory_space<vmem>>)
      %ge3A = arith.constant 2 : i32
      %ge3A_64 = arith.cmpi sge, %add3A_53, %ge3A : i32
      %convert_element_type3A_65 = arith.extui %ge3A_64 : i1 to i32
      %cond3A_66 = arith.constant 0 : i32
      %cond3A_67 = arith.cmpi ne, %convert_element_type3A_65, %cond3A_66 : i32
      scf.if %cond3A_67 {
        %sub3A = arith.constant 2 : i32
        %sub3A_122 = arith.subi %add3A_53, %sub3A : i32
        %dma_wait3A_123 = arith.constant 0 : i32
        %dma_wait3A_124 = tpu.memref_slice %arg9[%sub3A_122, %dma_wait3A_123] : memref<160x128xi32, #tpu.memory_space<vmem>> -> memref<1x128xi32, #tpu.memory_space<vmem>>
        %dma_wait3A_125 = tpu.memref_squeeze %dma_wait3A_124 : memref<1x128xi32, #tpu.memory_space<vmem>> -> memref<128xi32, #tpu.memory_space<vmem>>
        %dma_wait3A_126 = arith.constant 0 : i32
        %dma_wait3A_127 = arith.constant 0 : i32
        %dma_wait3A_128 = tpu.memref_slice %arg15[%dma_wait3A_126, %dma_wait3A_127] : memref<10000x64xi16, #tpu.memory_space<vmem_shared>> -> memref<10000x64xi16, #tpu.memory_space<vmem_shared>>
        tpu.wait_indirect_dma semaphore(%arg18 : memref<!tpu.dma_semaphore, #tpu.memory_space<semaphore_mem>>) src(%arg12 : memref<128x64xi16, #tpu.memory_space<vmem>>) dst(%dma_wait3A_128 : memref<10000x64xi16, #tpu.memory_space<vmem_shared>>)
      } else {
      }
      %scan3A_68 = arith.constant 0 : i32
      %scan3A_69 = arith.constant 0 : i32
      %scan3A_70 = arith.constant 8 : i32
      %scan3A_71 = arith.addi %scan3A_69, %scan3A_70 : i32
      %scan3A_72 = arith.constant 1 : i32
      scf.for %scan3A_122 = %scan3A_69 to %scan3A_71 step %scan3A_72  : i32 {
        %mul3A_123 = arith.constant 16 : i32
        %mul3A_124 = arith.muli %scan3A_122, %mul3A_123 : i32
        %get3A = arith.index_cast %add3A_53 : i32 to index
        %get3A_125 = arith.index_cast %mul3A_124 : i32 to index
        %get3A_126 = tpu.vector_load %arg14[%get3A, %get3A_125] {strides = array<i32>} : memref<160x128xf32, #tpu.memory_space<vmem>>, vector<16xf32>,
        %broadcast_in_dim3A = arith.constant 0 : i32
        %broadcast_in_dim3A_127 = vector.broadcast %broadcast_in_dim3A : i32 to vector<16x1xi32>
        %gather3A = vector.shape_cast %broadcast_in_dim3A_127 : vector<16x1xi32> to vector<16xi32>
        %gather3A_128 = tpu.dynamic_gather %get3A_126[%gather3A] in [0] : vector<16xf32>, vector<16xi32> -> vector<16xf32>
        %pack3A = tpu.pack_subelements %gather3A_128, %gather3A_128 {pack_format = #tpu.pack_format<interleaved>, positions = array<i32: 0, 1>} : vector<16xf32>, vector<16xf32> -> vector<32xbf16>
        %mul3A_129 = arith.constant 16 : i32
        %mul3A_130 = arith.muli %scan3A_122, %mul3A_129 : i32
        %add3A_131 = arith.constant 0 : i32
        %add3A_132 = arith.addi %mul3A_130, %add3A_131 : i32
        %get3A_133 = arith.index_cast %add3A_132 : i32 to index
        %get3A_134 = arith.constant 0 : index
        %get3A_135 = tpu.vector_load %arg10[%get3A_133, %get3A_134] {strides = array<i32>} : memref<128x64xbf16, #tpu.memory_space<vmem>>, vector<32xbf16>,
        %mul3A_136 = arith.mulf %get3A_135, %pack3A : vector<32xbf16>
        %convert_element_type3A_137 = arith.fptosi %mul3A_136 : vector<32xbf16> to vector<32xi16>
        %swap3A = arith.index_cast %add3A_132 : i32 to index
        %swap3A_138 = arith.constant 0 : index
        %swap3A_139 = tpu.vector_load %arg12[%swap3A, %swap3A_138] {strides = array<i32>} : memref<128x64xi16, #tpu.memory_space<vmem>>, vector<32xi16>,
        tpu.vector_store %arg12[%swap3A, %swap3A_138], %convert_element_type3A_137 {strides = array<i32>} : memref<128x64xi16, #tpu.memory_space<vmem>>, vector<32xi16>,
        %get3A_140 = arith.index_cast %add3A_132 : i32 to index
        %get3A_141 = arith.constant 32 : index
        %get3A_142 = tpu.vector_load %arg10[%get3A_140, %get3A_141] {strides = array<i32>} : memref<128x64xbf16, #tpu.memory_space<vmem>>, vector<32xbf16>,
        %mul3A_143 = arith.mulf %get3A_142, %pack3A : vector<32xbf16>
        %convert_element_type3A_144 = arith.fptosi %mul3A_143 : vector<32xbf16> to vector<32xi16>
        %swap3A_145 = arith.index_cast %add3A_132 : i32 to index
        %swap3A_146 = arith.constant 32 : index
        %swap3A_147 = tpu.vector_load %arg12[%swap3A_145, %swap3A_146] {strides = array<i32>} : memref<128x64xi16, #tpu.memory_space<vmem>>, vector<32xi16>,
        tpu.vector_store %arg12[%swap3A_145, %swap3A_146], %convert_element_type3A_144 {strides = array<i32>} : memref<128x64xi16, #tpu.memory_space<vmem>>, vector<32xi16>,
        %broadcast_in_dim3A_148 = arith.constant 1 : i32
        %broadcast_in_dim3A_149 = vector.broadcast %broadcast_in_dim3A_148 : i32 to vector<16x1xi32>
        %gather3A_150 = vector.shape_cast %broadcast_in_dim3A_149 : vector<16x1xi32> to vector<16xi32>
        %gather3A_151 = tpu.dynamic_gather %get3A_126[%gather3A_150] in [0] : vector<16xf32>, vector<16xi32> -> vector<16xf32>
        %pack3A_152 = tpu.pack_subelements %gather3A_151, %gather3A_151 {pack_format = #tpu.pack_format<interleaved>, positions = array<i32: 0, 1>} : vector<16xf32>, vector<16xf32> -> vector<32xbf16>
        %mul3A_153 = arith.constant 16 : i32
        %mul3A_154 = arith.muli %scan3A_122, %mul3A_153 : i32
        %add3A_155 = arith.constant 1 : i32
        %add3A_156 = arith.addi %mul3A_154, %add3A_155 : i32
        %get3A_157 = arith.index_cast %add3A_156 : i32 to index
        %get3A_158 = arith.constant 0 : index
        %get3A_159 = tpu.vector_load %arg10[%get3A_157, %get3A_158] {strides = array<i32>} : memref<128x64xbf16, #tpu.memory_space<vmem>>, vector<32xbf16>,
        %mul3A_160 = arith.mulf %get3A_159, %pack3A_152 : vector<32xbf16>
        %convert_element_type3A_161 = arith.fptosi %mul3A_160 : vector<32xbf16> to vector<32xi16>
        %swap3A_162 = arith.index_cast %add3A_156 : i32 to index
        %swap3A_163 = arith.constant 0 : index
        %swap3A_164 = tpu.vector_load %arg12[%swap3A_162, %swap3A_163] {strides = array<i32>} : memref<128x64xi16, #tpu.memory_space<vmem>>, vector<32xi16>,
        tpu.vector_store %arg12[%swap3A_162, %swap3A_163], %convert_element_type3A_161 {strides = array<i32>} : memref<128x64xi16, #tpu.memory_space<vmem>>, vector<32xi16>,
        %get3A_165 = arith.index_cast %add3A_156 : i32 to index
        %get3A_166 = arith.constant 32 : index
        %get3A_167 = tpu.vector_load %arg10[%get3A_165, %get3A_166] {strides = array<i32>} : memref<128x64xbf16, #tpu.memory_space<vmem>>, vector<32xbf16>,
        %mul3A_168 = arith.mulf %get3A_167, %pack3A_152 : vector<32xbf16>
        %convert_element_type3A_169 = arith.fptosi %mul3A_168 : vector<32xbf16> to vector<32xi16>
        %swap3A_170 = arith.index_cast %add3A_156 : i32 to index
        %swap3A_171 = arith.constant 32 : index
        %swap3A_172 = tpu.vector_load %arg12[%swap3A_170, %swap3A_171] {strides = array<i32>} : memref<128x64xi16, #tpu.memory_space<vmem>>, vector<32xi16>,
        tpu.vector_store %arg12[%swap3A_170, %swap3A_171], %convert_element_type3A_169 {strides = array<i32>} : memref<128x64xi16, #tpu.memory_space<vmem>>, vector<32xi16>,
        %broadcast_in_dim3A_173 = arith.constant 2 : i32
        %broadcast_in_dim3A_174 = vector.broadcast %broadcast_in_dim3A_173 : i32 to vector<16x1xi32>
        %gather3A_175 = vector.shape_cast %broadcast_in_dim3A_174 : vector<16x1xi32> to vector<16xi32>
        %gather3A_176 = tpu.dynamic_gather %get3A_126[%gather3A_175] in [0] : vector<16xf32>, vector<16xi32> -> vector<16xf32>
        %pack3A_177 = tpu.pack_subelements %gather3A_176, %gather3A_176 {pack_format = #tpu.pack_format<interleaved>, positions = array<i32: 0, 1>} : vector<16xf32>, vector<16xf32> -> vector<32xbf16>
        %mul3A_178 = arith.constant 16 : i32
        %mul3A_179 = arith.muli %scan3A_122, %mul3A_178 : i32
        %add3A_180 = arith.constant 2 : i32
        %add3A_181 = arith.addi %mul3A_179, %add3A_180 : i32
        %get3A_182 = arith.index_cast %add3A_181 : i32 to index
        %get3A_183 = arith.constant 0 : index
        %get3A_184 = tpu.vector_load %arg10[%get3A_182, %get3A_183] {strides = array<i32>} : memref<128x64xbf16, #tpu.memory_space<vmem>>, vector<32xbf16>,
        %mul3A_185 = arith.mulf %get3A_184, %pack3A_177 : vector<32xbf16>
        %convert_element_type3A_186 = arith.fptosi %mul3A_185 : vector<32xbf16> to vector<32xi16>
        %swap3A_187 = arith.index_cast %add3A_181 : i32 to index
        %swap3A_188 = arith.constant 0 : index
        %swap3A_189 = tpu.vector_load %arg12[%swap3A_187, %swap3A_188] {strides = array<i32>} : memref<128x64xi16, #tpu.memory_space<vmem>>, vector<32xi16>,
        tpu.vector_store %arg12[%swap3A_187, %swap3A_188], %convert_element_type3A_186 {strides = array<i32>} : memref<128x64xi16, #tpu.memory_space<vmem>>, vector<32xi16>,
        %get3A_190 = arith.index_cast %add3A_181 : i32 to index
        %get3A_191 = arith.constant 32 : index
        %get3A_192 = tpu.vector_load %arg10[%get3A_190, %get3A_191] {strides = array<i32>} : memref<128x64xbf16, #tpu.memory_space<vmem>>, vector<32xbf16>,
        %mul3A_193 = arith.mulf %get3A_192, %pack3A_177 : vector<32xbf16>
        %convert_element_type3A_194 = arith.fptosi %mul3A_193 : vector<32xbf16> to vector<32xi16>
        %swap3A_195 = arith.index_cast %add3A_181 : i32 to index
        %swap3A_196 = arith.constant 32 : index
        %swap3A_197 = tpu.vector_load %arg12[%swap3A_195, %swap3A_196] {strides = array<i32>} : memref<128x64xi16, #tpu.memory_space<vmem>>, vector<32xi16>,
        tpu.vector_store %arg12[%swap3A_195, %swap3A_196], %convert_element_type3A_194 {strides = array<i32>} : memref<128x64xi16, #tpu.memory_space<vmem>>, vector<32xi16>,
        %broadcast_in_dim3A_198 = arith.constant 3 : i32
        %broadcast_in_dim3A_199 = vector.broadcast %broadcast_in_dim3A_198 : i32 to vector<16x1xi32>
        %gather3A_200 = vector.shape_cast %broadcast_in_dim3A_199 : vector<16x1xi32> to vector<16xi32>
        %gather3A_201 = tpu.dynamic_gather %get3A_126[%gather3A_200] in [0] : vector<16xf32>, vector<16xi32> -> vector<16xf32>
        %pack3A_202 = tpu.pack_subelements %gather3A_201, %gather3A_201 {pack_format = #tpu.pack_format<interleaved>, positions = array<i32: 0, 1>} : vector<16xf32>, vector<16xf32> -> vector<32xbf16>
        %mul3A_203 = arith.constant 16 : i32
        %mul3A_204 = arith.muli %scan3A_122, %mul3A_203 : i32
        %add3A_205 = arith.constant 3 : i32
        %add3A_206 = arith.addi %mul3A_204, %add3A_205 : i32
        %get3A_207 = arith.index_cast %add3A_206 : i32 to index
        %get3A_208 = arith.constant 0 : index
        %get3A_209 = tpu.vector_load %arg10[%get3A_207, %get3A_208] {strides = array<i32>} : memref<128x64xbf16, #tpu.memory_space<vmem>>, vector<32xbf16>,
        %mul3A_210 = arith.mulf %get3A_209, %pack3A_202 : vector<32xbf16>
        %convert_element_type3A_211 = arith.fptosi %mul3A_210 : vector<32xbf16> to vector<32xi16>
        %swap3A_212 = arith.index_cast %add3A_206 : i32 to index
        %swap3A_213 = arith.constant 0 : index
        %swap3A_214 = tpu.vector_load %arg12[%swap3A_212, %swap3A_213] {strides = array<i32>} : memref<128x64xi16, #tpu.memory_space<vmem>>, vector<32xi16>,
        tpu.vector_store %arg12[%swap3A_212, %swap3A_213], %convert_element_type3A_211 {strides = array<i32>} : memref<128x64xi16, #tpu.memory_space<vmem>>, vector<32xi16>,
        %get3A_215 = arith.index_cast %add3A_206 : i32 to index
        %get3A_216 = arith.constant 32 : index
        %get3A_217 = tpu.vector_load %arg10[%get3A_215, %get3A_216] {strides = array<i32>} : memref<128x64xbf16, #tpu.memory_space<vmem>>, vector<32xbf16>,
        %mul3A_218 = arith.mulf %get3A_217, %pack3A_202 : vector<32xbf16>
        %convert_element_type3A_219 = arith.fptosi %mul3A_218 : vector<32xbf16> to vector<32xi16>
        %swap3A_220 = arith.index_cast %add3A_206 : i32 to index
        %swap3A_221 = arith.constant 32 : index
        %swap3A_222 = tpu.vector_load %arg12[%swap3A_220, %swap3A_221] {strides = array<i32>} : memref<128x64xi16, #tpu.memory_space<vmem>>, vector<32xi16>,
        tpu.vector_store %arg12[%swap3A_220, %swap3A_221], %convert_element_type3A_219 {strides = array<i32>} : memref<128x64xi16, #tpu.memory_space<vmem>>, vector<32xi16>,
        %broadcast_in_dim3A_223 = arith.constant 4 : i32
        %broadcast_in_dim3A_224 = vector.broadcast %broadcast_in_dim3A_223 : i32 to vector<16x1xi32>
        %gather3A_225 = vector.shape_cast %broadcast_in_dim3A_224 : vector<16x1xi32> to vector<16xi32>
        %gather3A_226 = tpu.dynamic_gather %get3A_126[%gather3A_225] in [0] : vector<16xf32>, vector<16xi32> -> vector<16xf32>
        %pack3A_227 = tpu.pack_subelements %gather3A_226, %gather3A_226 {pack_format = #tpu.pack_format<interleaved>, positions = array<i32: 0, 1>} : vector<16xf32>, vector<16xf32> -> vector<32xbf16>
        %mul3A_228 = arith.constant 16 : i32
        %mul3A_229 = arith.muli %scan3A_122, %mul3A_228 : i32
        %add3A_230 = arith.constant 4 : i32
        %add3A_231 = arith.addi %mul3A_229, %add3A_230 : i32
        %get3A_232 = arith.index_cast %add3A_231 : i32 to index
        %get3A_233 = arith.constant 0 : index
        %get3A_234 = tpu.vector_load %arg10[%get3A_232, %get3A_233] {strides = array<i32>} : memref<128x64xbf16, #tpu.memory_space<vmem>>, vector<32xbf16>,
        %mul3A_235 = arith.mulf %get3A_234, %pack3A_227 : vector<32xbf16>
        %convert_element_type3A_236 = arith.fptosi %mul3A_235 : vector<32xbf16> to vector<32xi16>
        %swap3A_237 = arith.index_cast %add3A_231 : i32 to index
        %swap3A_238 = arith.constant 0 : index
        %swap3A_239 = tpu.vector_load %arg12[%swap3A_237, %swap3A_238] {strides = array<i32>} : memref<128x64xi16, #tpu.memory_space<vmem>>, vector<32xi16>,
        tpu.vector_store %arg12[%swap3A_237, %swap3A_238], %convert_element_type3A_236 {strides = array<i32>} : memref<128x64xi16, #tpu.memory_space<vmem>>, vector<32xi16>,
        %get3A_240 = arith.index_cast %add3A_231 : i32 to index
        %get3A_241 = arith.constant 32 : index
        %get3A_242 = tpu.vector_load %arg10[%get3A_240, %get3A_241] {strides = array<i32>} : memref<128x64xbf16, #tpu.memory_space<vmem>>, vector<32xbf16>,
        %mul3A_243 = arith.mulf %get3A_242, %pack3A_227 : vector<32xbf16>
        %convert_element_type3A_244 = arith.fptosi %mul3A_243 : vector<32xbf16> to vector<32xi16>
        %swap3A_245 = arith.index_cast %add3A_231 : i32 to index
        %swap3A_246 = arith.constant 32 : index
        %swap3A_247 = tpu.vector_load %arg12[%swap3A_245, %swap3A_246] {strides = array<i32>} : memref<128x64xi16, #tpu.memory_space<vmem>>, vector<32xi16>,
        tpu.vector_store %arg12[%swap3A_245, %swap3A_246], %convert_element_type3A_244 {strides = array<i32>} : memref<128x64xi16, #tpu.memory_space<vmem>>, vector<32xi16>,
        %broadcast_in_dim3A_248 = arith.constant 5 : i32
        %broadcast_in_dim3A_249 = vector.broadcast %broadcast_in_dim3A_248 : i32 to vector<16x1xi32>
        %gather3A_250 = vector.shape_cast %broadcast_in_dim3A_249 : vector<16x1xi32> to vector<16xi32>
        %gather3A_251 = tpu.dynamic_gather %get3A_126[%gather3A_250] in [0] : vector<16xf32>, vector<16xi32> -> vector<16xf32>
        %pack3A_252 = tpu.pack_subelements %gather3A_251, %gather3A_251 {pack_format = #tpu.pack_format<interleaved>, positions = array<i32: 0, 1>} : vector<16xf32>, vector<16xf32> -> vector<32xbf16>
        %mul3A_253 = arith.constant 16 : i32
        %mul3A_254 = arith.muli %scan3A_122, %mul3A_253 : i32
        %add3A_255 = arith.constant 5 : i32
        %add3A_256 = arith.addi %mul3A_254, %add3A_255 : i32
        %get3A_257 = arith.index_cast %add3A_256 : i32 to index
        %get3A_258 = arith.constant 0 : index
        %get3A_259 = tpu.vector_load %arg10[%get3A_257, %get3A_258] {strides = array<i32>} : memref<128x64xbf16, #tpu.memory_space<vmem>>, vector<32xbf16>,
        %mul3A_260 = arith.mulf %get3A_259, %pack3A_252 : vector<32xbf16>
        %convert_element_type3A_261 = arith.fptosi %mul3A_260 : vector<32xbf16> to vector<32xi16>
        %swap3A_262 = arith.index_cast %add3A_256 : i32 to index
        %swap3A_263 = arith.constant 0 : index
        %swap3A_264 = tpu.vector_load %arg12[%swap3A_262, %swap3A_263] {strides = array<i32>} : memref<128x64xi16, #tpu.memory_space<vmem>>, vector<32xi16>,
        tpu.vector_store %arg12[%swap3A_262, %swap3A_263], %convert_element_type3A_261 {strides = array<i32>} : memref<128x64xi16, #tpu.memory_space<vmem>>, vector<32xi16>,
        %get3A_265 = arith.index_cast %add3A_256 : i32 to index
        %get3A_266 = arith.constant 32 : index
        %get3A_267 = tpu.vector_load %arg10[%get3A_265, %get3A_266] {strides = array<i32>} : memref<128x64xbf16, #tpu.memory_space<vmem>>, vector<32xbf16>,
        %mul3A_268 = arith.mulf %get3A_267, %pack3A_252 : vector<32xbf16>
        %convert_element_type3A_269 = arith.fptosi %mul3A_268 : vector<32xbf16> to vector<32xi16>
        %swap3A_270 = arith.index_cast %add3A_256 : i32 to index
        %swap3A_271 = arith.constant 32 : index
        %swap3A_272 = tpu.vector_load %arg12[%swap3A_270, %swap3A_271] {strides = array<i32>} : memref<128x64xi16, #tpu.memory_space<vmem>>, vector<32xi16>,
        tpu.vector_store %arg12[%swap3A_270, %swap3A_271], %convert_element_type3A_269 {strides = array<i32>} : memref<128x64xi16, #tpu.memory_space<vmem>>, vector<32xi16>,
        %broadcast_in_dim3A_273 = arith.constant 6 : i32
        %broadcast_in_dim3A_274 = vector.broadcast %broadcast_in_dim3A_273 : i32 to vector<16x1xi32>
        %gather3A_275 = vector.shape_cast %broadcast_in_dim3A_274 : vector<16x1xi32> to vector<16xi32>
        %gather3A_276 = tpu.dynamic_gather %get3A_126[%gather3A_275] in [0] : vector<16xf32>, vector<16xi32> -> vector<16xf32>
        %pack3A_277 = tpu.pack_subelements %gather3A_276, %gather3A_276 {pack_format = #tpu.pack_format<interleaved>, positions = array<i32: 0, 1>} : vector<16xf32>, vector<16xf32> -> vector<32xbf16>
        %mul3A_278 = arith.constant 16 : i32
        %mul3A_279 = arith.muli %scan3A_122, %mul3A_278 : i32
        %add3A_280 = arith.constant 6 : i32
        %add3A_281 = arith.addi %mul3A_279, %add3A_280 : i32
        %get3A_282 = arith.index_cast %add3A_281 : i32 to index
        %get3A_283 = arith.constant 0 : index
        %get3A_284 = tpu.vector_load %arg10[%get3A_282, %get3A_283] {strides = array<i32>} : memref<128x64xbf16, #tpu.memory_space<vmem>>, vector<32xbf16>,
        %mul3A_285 = arith.mulf %get3A_284, %pack3A_277 : vector<32xbf16>
        %convert_element_type3A_286 = arith.fptosi %mul3A_285 : vector<32xbf16> to vector<32xi16>
        %swap3A_287 = arith.index_cast %add3A_281 : i32 to index
        %swap3A_288 = arith.constant 0 : index
        %swap3A_289 = tpu.vector_load %arg12[%swap3A_287, %swap3A_288] {strides = array<i32>} : memref<128x64xi16, #tpu.memory_space<vmem>>, vector<32xi16>,
        tpu.vector_store %arg12[%swap3A_287, %swap3A_288], %convert_element_type3A_286 {strides = array<i32>} : memref<128x64xi16, #tpu.memory_space<vmem>>, vector<32xi16>,
        %get3A_290 = arith.index_cast %add3A_281 : i32 to index
        %get3A_291 = arith.constant 32 : index
        %get3A_292 = tpu.vector_load %arg10[%get3A_290, %get3A_291] {strides = array<i32>} : memref<128x64xbf16, #tpu.memory_space<vmem>>, vector<32xbf16>,
        %mul3A_293 = arith.mulf %get3A_292, %pack3A_277 : vector<32xbf16>
        %convert_element_type3A_294 = arith.fptosi %mul3A_293 : vector<32xbf16> to vector<32xi16>
        %swap3A_295 = arith.index_cast %add3A_281 : i32 to index
        %swap3A_296 = arith.constant 32 : index
        %swap3A_297 = tpu.vector_load %arg12[%swap3A_295, %swap3A_296] {strides = array<i32>} : memref<128x64xi16, #tpu.memory_space<vmem>>, vector<32xi16>,
        tpu.vector_store %arg12[%swap3A_295, %swap3A_296], %convert_element_type3A_294 {strides = array<i32>} : memref<128x64xi16, #tpu.memory_space<vmem>>, vector<32xi16>,
        %broadcast_in_dim3A_298 = arith.constant 7 : i32
        %broadcast_in_dim3A_299 = vector.broadcast %broadcast_in_dim3A_298 : i32 to vector<16x1xi32>
        %gather3A_300 = vector.shape_cast %broadcast_in_dim3A_299 : vector<16x1xi32> to vector<16xi32>
        %gather3A_301 = tpu.dynamic_gather %get3A_126[%gather3A_300] in [0] : vector<16xf32>, vector<16xi32> -> vector<16xf32>
        %pack3A_302 = tpu.pack_subelements %gather3A_301, %gather3A_301 {pack_format = #tpu.pack_format<interleaved>, positions = array<i32: 0, 1>} : vector<16xf32>, vector<16xf32> -> vector<32xbf16>
        %mul3A_303 = arith.constant 16 : i32
        %mul3A_304 = arith.muli %scan3A_122, %mul3A_303 : i32
        %add3A_305 = arith.constant 7 : i32
        %add3A_306 = arith.addi %mul3A_304, %add3A_305 : i32
        %get3A_307 = arith.index_cast %add3A_306 : i32 to index
        %get3A_308 = arith.constant 0 : index
        %get3A_309 = tpu.vector_load %arg10[%get3A_307, %get3A_308] {strides = array<i32>} : memref<128x64xbf16, #tpu.memory_space<vmem>>, vector<32xbf16>,
        %mul3A_310 = arith.mulf %get3A_309, %pack3A_302 : vector<32xbf16>
        %convert_element_type3A_311 = arith.fptosi %mul3A_310 : vector<32xbf16> to vector<32xi16>
        %swap3A_312 = arith.index_cast %add3A_306 : i32 to index
        %swap3A_313 = arith.constant 0 : index
        %swap3A_314 = tpu.vector_load %arg12[%swap3A_312, %swap3A_313] {strides = array<i32>} : memref<128x64xi16, #tpu.memory_space<vmem>>, vector<32xi16>,
        tpu.vector_store %arg12[%swap3A_312, %swap3A_313], %convert_element_type3A_311 {strides = array<i32>} : memref<128x64xi16, #tpu.memory_space<vmem>>, vector<32xi16>,
        %get3A_315 = arith.index_cast %add3A_306 : i32 to index
        %get3A_316 = arith.constant 32 : index
        %get3A_317 = tpu.vector_load %arg10[%get3A_315, %get3A_316] {strides = array<i32>} : memref<128x64xbf16, #tpu.memory_space<vmem>>, vector<32xbf16>,
        %mul3A_318 = arith.mulf %get3A_317, %pack3A_302 : vector<32xbf16>
        %convert_element_type3A_319 = arith.fptosi %mul3A_318 : vector<32xbf16> to vector<32xi16>
        %swap3A_320 = arith.index_cast %add3A_306 : i32 to index
        %swap3A_321 = arith.constant 32 : index
        %swap3A_322 = tpu.vector_load %arg12[%swap3A_320, %swap3A_321] {strides = array<i32>} : memref<128x64xi16, #tpu.memory_space<vmem>>, vector<32xi16>,
        tpu.vector_store %arg12[%swap3A_320, %swap3A_321], %convert_element_type3A_319 {strides = array<i32>} : memref<128x64xi16, #tpu.memory_space<vmem>>, vector<32xi16>,
        %broadcast_in_dim3A_323 = arith.constant 8 : i32
        %broadcast_in_dim3A_324 = vector.broadcast %broadcast_in_dim3A_323 : i32 to vector<16x1xi32>
        %gather3A_325 = vector.shape_cast %broadcast_in_dim3A_324 : vector<16x1xi32> to vector<16xi32>
        %gather3A_326 = tpu.dynamic_gather %get3A_126[%gather3A_325] in [0] : vector<16xf32>, vector<16xi32> -> vector<16xf32>
        %pack3A_327 = tpu.pack_subelements %gather3A_326, %gather3A_326 {pack_format = #tpu.pack_format<interleaved>, positions = array<i32: 0, 1>} : vector<16xf32>, vector<16xf32> -> vector<32xbf16>
        %mul3A_328 = arith.constant 16 : i32
        %mul3A_329 = arith.muli %scan3A_122, %mul3A_328 : i32
        %add3A_330 = arith.constant 8 : i32
        %add3A_331 = arith.addi %mul3A_329, %add3A_330 : i32
        %get3A_332 = arith.index_cast %add3A_331 : i32 to index
        %get3A_333 = arith.constant 0 : index
        %get3A_334 = tpu.vector_load %arg10[%get3A_332, %get3A_333] {strides = array<i32>} : memref<128x64xbf16, #tpu.memory_space<vmem>>, vector<32xbf16>,
        %mul3A_335 = arith.mulf %get3A_334, %pack3A_327 : vector<32xbf16>
        %convert_element_type3A_336 = arith.fptosi %mul3A_335 : vector<32xbf16> to vector<32xi16>
        %swap3A_337 = arith.index_cast %add3A_331 : i32 to index
        %swap3A_338 = arith.constant 0 : index
        %swap3A_339 = tpu.vector_load %arg12[%swap3A_337, %swap3A_338] {strides = array<i32>} : memref<128x64xi16, #tpu.memory_space<vmem>>, vector<32xi16>,
        tpu.vector_store %arg12[%swap3A_337, %swap3A_338], %convert_element_type3A_336 {strides = array<i32>} : memref<128x64xi16, #tpu.memory_space<vmem>>, vector<32xi16>,
        %get3A_340 = arith.index_cast %add3A_331 : i32 to index
        %get3A_341 = arith.constant 32 : index
        %get3A_342 = tpu.vector_load %arg10[%get3A_340, %get3A_341] {strides = array<i32>} : memref<128x64xbf16, #tpu.memory_space<vmem>>, vector<32xbf16>,
        %mul3A_343 = arith.mulf %get3A_342, %pack3A_327 : vector<32xbf16>
        %convert_element_type3A_344 = arith.fptosi %mul3A_343 : vector<32xbf16> to vector<32xi16>
        %swap3A_345 = arith.index_cast %add3A_331 : i32 to index
        %swap3A_346 = arith.constant 32 : index
        %swap3A_347 = tpu.vector_load %arg12[%swap3A_345, %swap3A_346] {strides = array<i32>} : memref<128x64xi16, #tpu.memory_space<vmem>>, vector<32xi16>,
        tpu.vector_store %arg12[%swap3A_345, %swap3A_346], %convert_element_type3A_344 {strides = array<i32>} : memref<128x64xi16, #tpu.memory_space<vmem>>, vector<32xi16>,
        %broadcast_in_dim3A_348 = arith.constant 9 : i32
        %broadcast_in_dim3A_349 = vector.broadcast %broadcast_in_dim3A_348 : i32 to vector<16x1xi32>
        %gather3A_350 = vector.shape_cast %broadcast_in_dim3A_349 : vector<16x1xi32> to vector<16xi32>
        %gather3A_351 = tpu.dynamic_gather %get3A_126[%gather3A_350] in [0] : vector<16xf32>, vector<16xi32> -> vector<16xf32>
        %pack3A_352 = tpu.pack_subelements %gather3A_351, %gather3A_351 {pack_format = #tpu.pack_format<interleaved>, positions = array<i32: 0, 1>} : vector<16xf32>, vector<16xf32> -> vector<32xbf16>
        %mul3A_353 = arith.constant 16 : i32
        %mul3A_354 = arith.muli %scan3A_122, %mul3A_353 : i32
        %add3A_355 = arith.constant 9 : i32
        %add3A_356 = arith.addi %mul3A_354, %add3A_355 : i32
        %get3A_357 = arith.index_cast %add3A_356 : i32 to index
        %get3A_358 = arith.constant 0 : index
        %get3A_359 = tpu.vector_load %arg10[%get3A_357, %get3A_358] {strides = array<i32>} : memref<128x64xbf16, #tpu.memory_space<vmem>>, vector<32xbf16>,
        %mul3A_360 = arith.mulf %get3A_359, %pack3A_352 : vector<32xbf16>
        %convert_element_type3A_361 = arith.fptosi %mul3A_360 : vector<32xbf16> to vector<32xi16>
        %swap3A_362 = arith.index_cast %add3A_356 : i32 to index
        %swap3A_363 = arith.constant 0 : index
        %swap3A_364 = tpu.vector_load %arg12[%swap3A_362, %swap3A_363] {strides = array<i32>} : memref<128x64xi16, #tpu.memory_space<vmem>>, vector<32xi16>,
        tpu.vector_store %arg12[%swap3A_362, %swap3A_363], %convert_element_type3A_361 {strides = array<i32>} : memref<128x64xi16, #tpu.memory_space<vmem>>, vector<32xi16>,
        %get3A_365 = arith.index_cast %add3A_356 : i32 to index
        %get3A_366 = arith.constant 32 : index
        %get3A_367 = tpu.vector_load %arg10[%get3A_365, %get3A_366] {strides = array<i32>} : memref<128x64xbf16, #tpu.memory_space<vmem>>, vector<32xbf16>,
        %mul3A_368 = arith.mulf %get3A_367, %pack3A_352 : vector<32xbf16>
        %convert_element_type3A_369 = arith.fptosi %mul3A_368 : vector<32xbf16> to vector<32xi16>
        %swap3A_370 = arith.index_cast %add3A_356 : i32 to index
        %swap3A_371 = arith.constant 32 : index
        %swap3A_372 = tpu.vector_load %arg12[%swap3A_370, %swap3A_371] {strides = array<i32>} : memref<128x64xi16, #tpu.memory_space<vmem>>, vector<32xi16>,
        tpu.vector_store %arg12[%swap3A_370, %swap3A_371], %convert_element_type3A_369 {strides = array<i32>} : memref<128x64xi16, #tpu.memory_space<vmem>>, vector<32xi16>,
        %broadcast_in_dim3A_373 = arith.constant 10 : i32
        %broadcast_in_dim3A_374 = vector.broadcast %broadcast_in_dim3A_373 : i32 to vector<16x1xi32>
        %gather3A_375 = vector.shape_cast %broadcast_in_dim3A_374 : vector<16x1xi32> to vector<16xi32>
        %gather3A_376 = tpu.dynamic_gather %get3A_126[%gather3A_375] in [0] : vector<16xf32>, vector<16xi32> -> vector<16xf32>
        %pack3A_377 = tpu.pack_subelements %gather3A_376, %gather3A_376 {pack_format = #tpu.pack_format<interleaved>, positions = array<i32: 0, 1>} : vector<16xf32>, vector<16xf32> -> vector<32xbf16>
        %mul3A_378 = arith.constant 16 : i32
        %mul3A_379 = arith.muli %scan3A_122, %mul3A_378 : i32
        %add3A_380 = arith.constant 10 : i32
        %add3A_381 = arith.addi %mul3A_379, %add3A_380 : i32
        %get3A_382 = arith.index_cast %add3A_381 : i32 to index
        %get3A_383 = arith.constant 0 : index
        %get3A_384 = tpu.vector_load %arg10[%get3A_382, %get3A_383] {strides = array<i32>} : memref<128x64xbf16, #tpu.memory_space<vmem>>, vector<32xbf16>,
        %mul3A_385 = arith.mulf %get3A_384, %pack3A_377 : vector<32xbf16>
        %convert_element_type3A_386 = arith.fptosi %mul3A_385 : vector<32xbf16> to vector<32xi16>
        %swap3A_387 = arith.index_cast %add3A_381 : i32 to index
        %swap3A_388 = arith.constant 0 : index
        %swap3A_389 = tpu.vector_load %arg12[%swap3A_387, %swap3A_388] {strides = array<i32>} : memref<128x64xi16, #tpu.memory_space<vmem>>, vector<32xi16>,
        tpu.vector_store %arg12[%swap3A_387, %swap3A_388], %convert_element_type3A_386 {strides = array<i32>} : memref<128x64xi16, #tpu.memory_space<vmem>>, vector<32xi16>,
        %get3A_390 = arith.index_cast %add3A_381 : i32 to index
        %get3A_391 = arith.constant 32 : index
        %get3A_392 = tpu.vector_load %arg10[%get3A_390, %get3A_391] {strides = array<i32>} : memref<128x64xbf16, #tpu.memory_space<vmem>>, vector<32xbf16>,
        %mul3A_393 = arith.mulf %get3A_392, %pack3A_377 : vector<32xbf16>
        %convert_element_type3A_394 = arith.fptosi %mul3A_393 : vector<32xbf16> to vector<32xi16>
        %swap3A_395 = arith.index_cast %add3A_381 : i32 to index
        %swap3A_396 = arith.constant 32 : index
        %swap3A_397 = tpu.vector_load %arg12[%swap3A_395, %swap3A_396] {strides = array<i32>} : memref<128x64xi16, #tpu.memory_space<vmem>>, vector<32xi16>,
        tpu.vector_store %arg12[%swap3A_395, %swap3A_396], %convert_element_type3A_394 {strides = array<i32>} : memref<128x64xi16, #tpu.memory_space<vmem>>, vector<32xi16>,
        %broadcast_in_dim3A_398 = arith.constant 11 : i32
        %broadcast_in_dim3A_399 = vector.broadcast %broadcast_in_dim3A_398 : i32 to vector<16x1xi32>
        %gather3A_400 = vector.shape_cast %broadcast_in_dim3A_399 : vector<16x1xi32> to vector<16xi32>
        %gather3A_401 = tpu.dynamic_gather %get3A_126[%gather3A_400] in [0] : vector<16xf32>, vector<16xi32> -> vector<16xf32>
        %pack3A_402 = tpu.pack_subelements %gather3A_401, %gather3A_401 {pack_format = #tpu.pack_format<interleaved>, positions = array<i32: 0, 1>} : vector<16xf32>, vector<16xf32> -> vector<32xbf16>
        %mul3A_403 = arith.constant 16 : i32
        %mul3A_404 = arith.muli %scan3A_122, %mul3A_403 : i32
        %add3A_405 = arith.constant 11 : i32
        %add3A_406 = arith.addi %mul3A_404, %add3A_405 : i32
        %get3A_407 = arith.index_cast %add3A_406 : i32 to index
        %get3A_408 = arith.constant 0 : index
        %get3A_409 = tpu.vector_load %arg10[%get3A_407, %get3A_408] {strides = array<i32>} : memref<128x64xbf16, #tpu.memory_space<vmem>>, vector<32xbf16>,
        %mul3A_410 = arith.mulf %get3A_409, %pack3A_402 : vector<32xbf16>
        %convert_element_type3A_411 = arith.fptosi %mul3A_410 : vector<32xbf16> to vector<32xi16>
        %swap3A_412 = arith.index_cast %add3A_406 : i32 to index
        %swap3A_413 = arith.constant 0 : index
        %swap3A_414 = tpu.vector_load %arg12[%swap3A_412, %swap3A_413] {strides = array<i32>} : memref<128x64xi16, #tpu.memory_space<vmem>>, vector<32xi16>,
        tpu.vector_store %arg12[%swap3A_412, %swap3A_413], %convert_element_type3A_411 {strides = array<i32>} : memref<128x64xi16, #tpu.memory_space<vmem>>, vector<32xi16>,
        %get3A_415 = arith.index_cast %add3A_406 : i32 to index
        %get3A_416 = arith.constant 32 : index
        %get3A_417 = tpu.vector_load %arg10[%get3A_415, %get3A_416] {strides = array<i32>} : memref<128x64xbf16, #tpu.memory_space<vmem>>, vector<32xbf16>,
        %mul3A_418 = arith.mulf %get3A_417, %pack3A_402 : vector<32xbf16>
        %convert_element_type3A_419 = arith.fptosi %mul3A_418 : vector<32xbf16> to vector<32xi16>
        %swap3A_420 = arith.index_cast %add3A_406 : i32 to index
        %swap3A_421 = arith.constant 32 : index
        %swap3A_422 = tpu.vector_load %arg12[%swap3A_420, %swap3A_421] {strides = array<i32>} : memref<128x64xi16, #tpu.memory_space<vmem>>, vector<32xi16>,
        tpu.vector_store %arg12[%swap3A_420, %swap3A_421], %convert_element_type3A_419 {strides = array<i32>} : memref<128x64xi16, #tpu.memory_space<vmem>>, vector<32xi16>,
        %broadcast_in_dim3A_423 = arith.constant 12 : i32
        %broadcast_in_dim3A_424 = vector.broadcast %broadcast_in_dim3A_423 : i32 to vector<16x1xi32>
        %gather3A_425 = vector.shape_cast %broadcast_in_dim3A_424 : vector<16x1xi32> to vector<16xi32>
        %gather3A_426 = tpu.dynamic_gather %get3A_126[%gather3A_425] in [0] : vector<16xf32>, vector<16xi32> -> vector<16xf32>
        %pack3A_427 = tpu.pack_subelements %gather3A_426, %gather3A_426 {pack_format = #tpu.pack_format<interleaved>, positions = array<i32: 0, 1>} : vector<16xf32>, vector<16xf32> -> vector<32xbf16>
        %mul3A_428 = arith.constant 16 : i32
        %mul3A_429 = arith.muli %scan3A_122, %mul3A_428 : i32
        %add3A_430 = arith.constant 12 : i32
        %add3A_431 = arith.addi %mul3A_429, %add3A_430 : i32
        %get3A_432 = arith.index_cast %add3A_431 : i32 to index
        %get3A_433 = arith.constant 0 : index
        %get3A_434 = tpu.vector_load %arg10[%get3A_432, %get3A_433] {strides = array<i32>} : memref<128x64xbf16, #tpu.memory_space<vmem>>, vector<32xbf16>,
        %mul3A_435 = arith.mulf %get3A_434, %pack3A_427 : vector<32xbf16>
        %convert_element_type3A_436 = arith.fptosi %mul3A_435 : vector<32xbf16> to vector<32xi16>
        %swap3A_437 = arith.index_cast %add3A_431 : i32 to index
        %swap3A_438 = arith.constant 0 : index
        %swap3A_439 = tpu.vector_load %arg12[%swap3A_437, %swap3A_438] {strides = array<i32>} : memref<128x64xi16, #tpu.memory_space<vmem>>, vector<32xi16>,
        tpu.vector_store %arg12[%swap3A_437, %swap3A_438], %convert_element_type3A_436 {strides = array<i32>} : memref<128x64xi16, #tpu.memory_space<vmem>>, vector<32xi16>,
        %get3A_440 = arith.index_cast %add3A_431 : i32 to index
        %get3A_441 = arith.constant 32 : index
        %get3A_442 = tpu.vector_load %arg10[%get3A_440, %get3A_441] {strides = array<i32>} : memref<128x64xbf16, #tpu.memory_space<vmem>>, vector<32xbf16>,
        %mul3A_443 = arith.mulf %get3A_442, %pack3A_427 : vector<32xbf16>
        %convert_element_type3A_444 = arith.fptosi %mul3A_443 : vector<32xbf16> to vector<32xi16>
        %swap3A_445 = arith.index_cast %add3A_431 : i32 to index
        %swap3A_446 = arith.constant 32 : index
        %swap3A_447 = tpu.vector_load %arg12[%swap3A_445, %swap3A_446] {strides = array<i32>} : memref<128x64xi16, #tpu.memory_space<vmem>>, vector<32xi16>,
        tpu.vector_store %arg12[%swap3A_445, %swap3A_446], %convert_element_type3A_444 {strides = array<i32>} : memref<128x64xi16, #tpu.memory_space<vmem>>, vector<32xi16>,
        %broadcast_in_dim3A_448 = arith.constant 13 : i32
        %broadcast_in_dim3A_449 = vector.broadcast %broadcast_in_dim3A_448 : i32 to vector<16x1xi32>
        %gather3A_450 = vector.shape_cast %broadcast_in_dim3A_449 : vector<16x1xi32> to vector<16xi32>
        %gather3A_451 = tpu.dynamic_gather %get3A_126[%gather3A_450] in [0] : vector<16xf32>, vector<16xi32> -> vector<16xf32>
        %pack3A_452 = tpu.pack_subelements %gather3A_451, %gather3A_451 {pack_format = #tpu.pack_format<interleaved>, positions = array<i32: 0, 1>} : vector<16xf32>, vector<16xf32> -> vector<32xbf16>
        %mul3A_453 = arith.constant 16 : i32
        %mul3A_454 = arith.muli %scan3A_122, %mul3A_453 : i32
        %add3A_455 = arith.constant 13 : i32
        %add3A_456 = arith.addi %mul3A_454, %add3A_455 : i32
        %get3A_457 = arith.index_cast %add3A_456 : i32 to index
        %get3A_458 = arith.constant 0 : index
        %get3A_459 = tpu.vector_load %arg10[%get3A_457, %get3A_458] {strides = array<i32>} : memref<128x64xbf16, #tpu.memory_space<vmem>>, vector<32xbf16>,
        %mul3A_460 = arith.mulf %get3A_459, %pack3A_452 : vector<32xbf16>
        %convert_element_type3A_461 = arith.fptosi %mul3A_460 : vector<32xbf16> to vector<32xi16>
        %swap3A_462 = arith.index_cast %add3A_456 : i32 to index
        %swap3A_463 = arith.constant 0 : index
        %swap3A_464 = tpu.vector_load %arg12[%swap3A_462, %swap3A_463] {strides = array<i32>} : memref<128x64xi16, #tpu.memory_space<vmem>>, vector<32xi16>,
        tpu.vector_store %arg12[%swap3A_462, %swap3A_463], %convert_element_type3A_461 {strides = array<i32>} : memref<128x64xi16, #tpu.memory_space<vmem>>, vector<32xi16>,
        %get3A_465 = arith.index_cast %add3A_456 : i32 to index
        %get3A_466 = arith.constant 32 : index
        %get3A_467 = tpu.vector_load %arg10[%get3A_465, %get3A_466] {strides = array<i32>} : memref<128x64xbf16, #tpu.memory_space<vmem>>, vector<32xbf16>,
        %mul3A_468 = arith.mulf %get3A_467, %pack3A_452 : vector<32xbf16>
        %convert_element_type3A_469 = arith.fptosi %mul3A_468 : vector<32xbf16> to vector<32xi16>
        %swap3A_470 = arith.index_cast %add3A_456 : i32 to index
        %swap3A_471 = arith.constant 32 : index
        %swap3A_472 = tpu.vector_load %arg12[%swap3A_470, %swap3A_471] {strides = array<i32>} : memref<128x64xi16, #tpu.memory_space<vmem>>, vector<32xi16>,
        tpu.vector_store %arg12[%swap3A_470, %swap3A_471], %convert_element_type3A_469 {strides = array<i32>} : memref<128x64xi16, #tpu.memory_space<vmem>>, vector<32xi16>,
        %broadcast_in_dim3A_473 = arith.constant 14 : i32
        %broadcast_in_dim3A_474 = vector.broadcast %broadcast_in_dim3A_473 : i32 to vector<16x1xi32>
        %gather3A_475 = vector.shape_cast %broadcast_in_dim3A_474 : vector<16x1xi32> to vector<16xi32>
        %gather3A_476 = tpu.dynamic_gather %get3A_126[%gather3A_475] in [0] : vector<16xf32>, vector<16xi32> -> vector<16xf32>
        %pack3A_477 = tpu.pack_subelements %gather3A_476, %gather3A_476 {pack_format = #tpu.pack_format<interleaved>, positions = array<i32: 0, 1>} : vector<16xf32>, vector<16xf32> -> vector<32xbf16>
        %mul3A_478 = arith.constant 16 : i32
        %mul3A_479 = arith.muli %scan3A_122, %mul3A_478 : i32
        %add3A_480 = arith.constant 14 : i32
        %add3A_481 = arith.addi %mul3A_479, %add3A_480 : i32
        %get3A_482 = arith.index_cast %add3A_481 : i32 to index
        %get3A_483 = arith.constant 0 : index
        %get3A_484 = tpu.vector_load %arg10[%get3A_482, %get3A_483] {strides = array<i32>} : memref<128x64xbf16, #tpu.memory_space<vmem>>, vector<32xbf16>,
        %mul3A_485 = arith.mulf %get3A_484, %pack3A_477 : vector<32xbf16>
        %convert_element_type3A_486 = arith.fptosi %mul3A_485 : vector<32xbf16> to vector<32xi16>
        %swap3A_487 = arith.index_cast %add3A_481 : i32 to index
        %swap3A_488 = arith.constant 0 : index
        %swap3A_489 = tpu.vector_load %arg12[%swap3A_487, %swap3A_488] {strides = array<i32>} : memref<128x64xi16, #tpu.memory_space<vmem>>, vector<32xi16>,
        tpu.vector_store %arg12[%swap3A_487, %swap3A_488], %convert_element_type3A_486 {strides = array<i32>} : memref<128x64xi16, #tpu.memory_space<vmem>>, vector<32xi16>,
        %get3A_490 = arith.index_cast %add3A_481 : i32 to index
        %get3A_491 = arith.constant 32 : index
        %get3A_492 = tpu.vector_load %arg10[%get3A_490, %get3A_491] {strides = array<i32>} : memref<128x64xbf16, #tpu.memory_space<vmem>>, vector<32xbf16>,
        %mul3A_493 = arith.mulf %get3A_492, %pack3A_477 : vector<32xbf16>
        %convert_element_type3A_494 = arith.fptosi %mul3A_493 : vector<32xbf16> to vector<32xi16>
        %swap3A_495 = arith.index_cast %add3A_481 : i32 to index
        %swap3A_496 = arith.constant 32 : index
        %swap3A_497 = tpu.vector_load %arg12[%swap3A_495, %swap3A_496] {strides = array<i32>} : memref<128x64xi16, #tpu.memory_space<vmem>>, vector<32xi16>,
        tpu.vector_store %arg12[%swap3A_495, %swap3A_496], %convert_element_type3A_494 {strides = array<i32>} : memref<128x64xi16, #tpu.memory_space<vmem>>, vector<32xi16>,
        %broadcast_in_dim3A_498 = arith.constant 15 : i32
        %broadcast_in_dim3A_499 = vector.broadcast %broadcast_in_dim3A_498 : i32 to vector<16x1xi32>
        %gather3A_500 = vector.shape_cast %broadcast_in_dim3A_499 : vector<16x1xi32> to vector<16xi32>
        %gather3A_501 = tpu.dynamic_gather %get3A_126[%gather3A_500] in [0] : vector<16xf32>, vector<16xi32> -> vector<16xf32>
        %pack3A_502 = tpu.pack_subelements %gather3A_501, %gather3A_501 {pack_format = #tpu.pack_format<interleaved>, positions = array<i32: 0, 1>} : vector<16xf32>, vector<16xf32> -> vector<32xbf16>
        %mul3A_503 = arith.constant 16 : i32
        %mul3A_504 = arith.muli %scan3A_122, %mul3A_503 : i32
        %add3A_505 = arith.constant 15 : i32
        %add3A_506 = arith.addi %mul3A_504, %add3A_505 : i32
        %get3A_507 = arith.index_cast %add3A_506 : i32 to index
        %get3A_508 = arith.constant 0 : index
        %get3A_509 = tpu.vector_load %arg10[%get3A_507, %get3A_508] {strides = array<i32>} : memref<128x64xbf16, #tpu.memory_space<vmem>>, vector<32xbf16>,
        %mul3A_510 = arith.mulf %get3A_509, %pack3A_502 : vector<32xbf16>
        %convert_element_type3A_511 = arith.fptosi %mul3A_510 : vector<32xbf16> to vector<32xi16>
        %swap3A_512 = arith.index_cast %add3A_506 : i32 to index
        %swap3A_513 = arith.constant 0 : index
        %swap3A_514 = tpu.vector_load %arg12[%swap3A_512, %swap3A_513] {strides = array<i32>} : memref<128x64xi16, #tpu.memory_space<vmem>>, vector<32xi16>,
        tpu.vector_store %arg12[%swap3A_512, %swap3A_513], %convert_element_type3A_511 {strides = array<i32>} : memref<128x64xi16, #tpu.memory_space<vmem>>, vector<32xi16>,
        %get3A_515 = arith.index_cast %add3A_506 : i32 to index
        %get3A_516 = arith.constant 32 : index
        %get3A_517 = tpu.vector_load %arg10[%get3A_515, %get3A_516] {strides = array<i32>} : memref<128x64xbf16, #tpu.memory_space<vmem>>, vector<32xbf16>,
        %mul3A_518 = arith.mulf %get3A_517, %pack3A_502 : vector<32xbf16>
        %convert_element_type3A_519 = arith.fptosi %mul3A_518 : vector<32xbf16> to vector<32xi16>
        %swap3A_520 = arith.index_cast %add3A_506 : i32 to index
        %swap3A_521 = arith.constant 32 : index
        %swap3A_522 = tpu.vector_load %arg12[%swap3A_520, %swap3A_521] {strides = array<i32>} : memref<128x64xi16, #tpu.memory_space<vmem>>, vector<32xi16>,
        tpu.vector_store %arg12[%swap3A_520, %swap3A_521], %convert_element_type3A_519 {strides = array<i32>} : memref<128x64xi16, #tpu.memory_space<vmem>>, vector<32xi16>,
      }
      %scan3A_73 = arith.constant 8 : i32
      %dma_start3A_74 = arith.constant 0 : i32
      %dma_start3A_75 = tpu.memref_slice %arg9[%add3A_53, %dma_start3A_74] : memref<160x128xi32, #tpu.memory_space<vmem>> -> memref<1x128xi32, #tpu.memory_space<vmem>>
      %dma_start3A_76 = tpu.memref_squeeze %dma_start3A_75 : memref<1x128xi32, #tpu.memory_space<vmem>> -> memref<128xi32, #tpu.memory_space<vmem>>
      %dma_start3A_77 = arith.constant 0 : i32
      %dma_start3A_78 = arith.constant 0 : i32
      %dma_start3A_79 = tpu.memref_slice %arg15[%dma_start3A_77, %dma_start3A_78] : memref<10000x64xi16, #tpu.memory_space<vmem_shared>> -> memref<10000x64xi16, #tpu.memory_space<vmem_shared>>
      tpu.enqueue_indirect_dma source(%arg12 : memref<128x64xi16, #tpu.memory_space<vmem>>) target(%dma_start3A_79 : memref<10000x64xi16, #tpu.memory_space<vmem_shared>>) offsets(%dma_start3A_76 : memref<128xi32, #tpu.memory_space<vmem>>) semaphore(%arg18 : memref<!tpu.dma_semaphore, #tpu.memory_space<semaphore_mem>>) {add = true}
      %add3A_80 = arith.constant 2 : i32
      %add3A_81 = arith.addi %add3A_53, %add3A_80 : i32
      %lt3A = arith.constant 160 : i32
      %lt3A_82 = arith.cmpi slt, %add3A_81, %lt3A : i32
      %convert_element_type3A_83 = arith.extui %lt3A_82 : i1 to i32
      %cond3A_84 = arith.constant 0 : i32
      %cond3A_85 = arith.cmpi ne, %convert_element_type3A_83, %cond3A_84 : i32
      scf.if %cond3A_85 {
        %add3A_122 = arith.constant 2 : i32
        %add3A_123 = arith.addi %add3A_53, %add3A_122 : i32
        %dma_start3A_124 = arith.constant 0 : i32
        %dma_start3A_125 = tpu.memref_slice %arg8[%add3A_123, %dma_start3A_124] : memref<160x128xi32, #tpu.memory_space<vmem>> -> memref<1x128xi32, #tpu.memory_space<vmem>>
        %dma_start3A_126 = tpu.memref_squeeze %dma_start3A_125 : memref<1x128xi32, #tpu.memory_space<vmem>> -> memref<128xi32, #tpu.memory_space<vmem>>
        %dma_start3A_127 = arith.constant 0 : i32
        %dma_start3A_128 = arith.constant 0 : i32
        %dma_start3A_129 = tpu.memref_slice %arg2[%arg0, %dma_start3A_127, %dma_start3A_128] : memref<2x10000x64xbf16, #tpu.memory_space<hbm>> -> memref<1x10000x64xbf16, #tpu.memory_space<hbm>>
        %dma_start3A_130 = tpu.memref_squeeze %dma_start3A_129 : memref<1x10000x64xbf16, #tpu.memory_space<hbm>> -> memref<10000x64xbf16, #tpu.memory_space<hbm>>
        %dma_start3A_131 = arith.constant 0 : i32
        %dma_start3A_132 = arith.constant 0 : i32
        %dma_start3A_133 = tpu.memref_slice %dma_start3A_130[%dma_start3A_131, %dma_start3A_132] : memref<10000x64xbf16, #tpu.memory_space<hbm>> -> memref<10000x64xbf16, #tpu.memory_space<hbm>>
        tpu.enqueue_indirect_dma source(%dma_start3A_133 : memref<10000x64xbf16, #tpu.memory_space<hbm>>) target(%arg10 : memref<128x64xbf16, #tpu.memory_space<vmem>>) offsets(%dma_start3A_126 : memref<128xi32, #tpu.memory_space<vmem>>) semaphore(%arg16 : memref<!tpu.dma_semaphore, #tpu.memory_space<semaphore_mem>>)
      } else {
      }
      %add3A_86 = arith.constant 1 : i32
      %add3A_87 = arith.addi %mul3A_52, %add3A_86 : i32
      %dma_wait3A_88 = arith.constant 0 : i32
      %dma_wait3A_89 = tpu.memref_slice %arg8[%add3A_87, %dma_wait3A_88] : memref<160x128xi32, #tpu.memory_space<vmem>> -> memref<1x128xi32, #tpu.memory_space<vmem>>
      %dma_wait3A_90 = tpu.memref_squeeze %dma_wait3A_89 : memref<1x128xi32, #tpu.memory_space<vmem>> -> memref<128xi32, #tpu.memory_space<vmem>>
      %dma_wait3A_91 = arith.constant 0 : i32
      %dma_wait3A_92 = arith.constant 0 : i32
      %dma_wait3A_93 = tpu.memref_slice %arg2[%arg0, %dma_wait3A_91, %dma_wait3A_92] : memref<2x10000x64xbf16, #tpu.memory_space<hbm>> -> memref<1x10000x64xbf16, #tpu.memory_space<hbm>>
      %dma_wait3A_94 = tpu.memref_squeeze %dma_wait3A_93 : memref<1x10000x64xbf16, #tpu.memory_space<hbm>> -> memref<10000x64xbf16, #tpu.memory_space<hbm>>
      %dma_wait3A_95 = arith.constant 0 : i32
      %dma_wait3A_96 = arith.constant 0 : i32
      %dma_wait3A_97 = tpu.memref_slice %dma_wait3A_94[%dma_wait3A_95, %dma_wait3A_96] : memref<10000x64xbf16, #tpu.memory_space<hbm>> -> memref<10000x64xbf16, #tpu.memory_space<hbm>>
      tpu.wait_indirect_dma semaphore(%arg17 : memref<!tpu.dma_semaphore, #tpu.memory_space<semaphore_mem>>) src(%dma_wait3A_97 : memref<10000x64xbf16, #tpu.memory_space<hbm>>) dst(%arg11 : memref<128x64xbf16, #tpu.memory_space<vmem>>)
      %ge3A_98 = arith.constant 2 : i32
      %ge3A_99 = arith.cmpi sge, %add3A_87, %ge3A_98 : i32
      %convert_element_type3A_100 = arith.extui %ge3A_99 : i1 to i32
      %cond3A_101 = arith.constant 0 : i32
      %cond3A_102 = arith.cmpi ne, %convert_element_type3A_100, %cond3A_101 : i32
      scf.if %cond3A_102 {
        %sub3A = arith.constant 2 : i32
        %sub3A_122 = arith.subi %add3A_87, %sub3A : i32
        %dma_wait3A_123 = arith.constant 0 : i32
        %dma_wait3A_124 = tpu.memref_slice %arg9[%sub3A_122, %dma_wait3A_123] : memref<160x128xi32, #tpu.memory_space<vmem>> -> memref<1x128xi32, #tpu.memory_space<vmem>>
        %dma_wait3A_125 = tpu.memref_squeeze %dma_wait3A_124 : memref<1x128xi32, #tpu.memory_space<vmem>> -> memref<128xi32, #tpu.memory_space<vmem>>
        %dma_wait3A_126 = arith.constant 0 : i32
        %dma_wait3A_127 = arith.constant 0 : i32
        %dma_wait3A_128 = tpu.memref_slice %arg15[%dma_wait3A_126, %dma_wait3A_127] : memref<10000x64xi16, #tpu.memory_space<vmem_shared>> -> memref<10000x64xi16, #tpu.memory_space<vmem_shared>>
        tpu.wait_indirect_dma semaphore(%arg19 : memref<!tpu.dma_semaphore, #tpu.memory_space<semaphore_mem>>) src(%arg13 : memref<128x64xi16, #tpu.memory_space<vmem>>) dst(%dma_wait3A_128 : memref<10000x64xi16, #tpu.memory_space<vmem_shared>>)
      } else {
      }
      %scan3A_103 = arith.constant 0 : i32
      %scan3A_104 = arith.constant 0 : i32
      %scan3A_105 = arith.constant 8 : i32
      %scan3A_106 = arith.addi %scan3A_104, %scan3A_105 : i32
      %scan3A_107 = arith.constant 1 : i32
      scf.for %scan3A_122 = %scan3A_104 to %scan3A_106 step %scan3A_107  : i32 {
        %mul3A_123 = arith.constant 16 : i32
        %mul3A_124 = arith.muli %scan3A_122, %mul3A_123 : i32
        %get3A = arith.index_cast %add3A_87 : i32 to index
        %get3A_125 = arith.index_cast %mul3A_124 : i32 to index
        %get3A_126 = tpu.vector_load %arg14[%get3A, %get3A_125] {strides = array<i32>} : memref<160x128xf32, #tpu.memory_space<vmem>>, vector<16xf32>,
        %broadcast_in_dim3A = arith.constant 0 : i32
        %broadcast_in_dim3A_127 = vector.broadcast %broadcast_in_dim3A : i32 to vector<16x1xi32>
        %gather3A = vector.shape_cast %broadcast_in_dim3A_127 : vector<16x1xi32> to vector<16xi32>
        %gather3A_128 = tpu.dynamic_gather %get3A_126[%gather3A] in [0] : vector<16xf32>, vector<16xi32> -> vector<16xf32>
        %pack3A = tpu.pack_subelements %gather3A_128, %gather3A_128 {pack_format = #tpu.pack_format<interleaved>, positions = array<i32: 0, 1>} : vector<16xf32>, vector<16xf32> -> vector<32xbf16>
        %mul3A_129 = arith.constant 16 : i32
        %mul3A_130 = arith.muli %scan3A_122, %mul3A_129 : i32
        %add3A_131 = arith.constant 0 : i32
        %add3A_132 = arith.addi %mul3A_130, %add3A_131 : i32
        %get3A_133 = arith.index_cast %add3A_132 : i32 to index
        %get3A_134 = arith.constant 0 : index
        %get3A_135 = tpu.vector_load %arg11[%get3A_133, %get3A_134] {strides = array<i32>} : memref<128x64xbf16, #tpu.memory_space<vmem>>, vector<32xbf16>,
        %mul3A_136 = arith.mulf %get3A_135, %pack3A : vector<32xbf16>
        %convert_element_type3A_137 = arith.fptosi %mul3A_136 : vector<32xbf16> to vector<32xi16>
        %swap3A = arith.index_cast %add3A_132 : i32 to index
        %swap3A_138 = arith.constant 0 : index
        %swap3A_139 = tpu.vector_load %arg13[%swap3A, %swap3A_138] {strides = array<i32>} : memref<128x64xi16, #tpu.memory_space<vmem>>, vector<32xi16>,
        tpu.vector_store %arg13[%swap3A, %swap3A_138], %convert_element_type3A_137 {strides = array<i32>} : memref<128x64xi16, #tpu.memory_space<vmem>>, vector<32xi16>,
        %get3A_140 = arith.index_cast %add3A_132 : i32 to index
        %get3A_141 = arith.constant 32 : index
        %get3A_142 = tpu.vector_load %arg11[%get3A_140, %get3A_141] {strides = array<i32>} : memref<128x64xbf16, #tpu.memory_space<vmem>>, vector<32xbf16>,
        %mul3A_143 = arith.mulf %get3A_142, %pack3A : vector<32xbf16>
        %convert_element_type3A_144 = arith.fptosi %mul3A_143 : vector<32xbf16> to vector<32xi16>
        %swap3A_145 = arith.index_cast %add3A_132 : i32 to index
        %swap3A_146 = arith.constant 32 : index
        %swap3A_147 = tpu.vector_load %arg13[%swap3A_145, %swap3A_146] {strides = array<i32>} : memref<128x64xi16, #tpu.memory_space<vmem>>, vector<32xi16>,
        tpu.vector_store %arg13[%swap3A_145, %swap3A_146], %convert_element_type3A_144 {strides = array<i32>} : memref<128x64xi16, #tpu.memory_space<vmem>>, vector<32xi16>,
        %broadcast_in_dim3A_148 = arith.constant 1 : i32
        %broadcast_in_dim3A_149 = vector.broadcast %broadcast_in_dim3A_148 : i32 to vector<16x1xi32>
        %gather3A_150 = vector.shape_cast %broadcast_in_dim3A_149 : vector<16x1xi32> to vector<16xi32>
        %gather3A_151 = tpu.dynamic_gather %get3A_126[%gather3A_150] in [0] : vector<16xf32>, vector<16xi32> -> vector<16xf32>
        %pack3A_152 = tpu.pack_subelements %gather3A_151, %gather3A_151 {pack_format = #tpu.pack_format<interleaved>, positions = array<i32: 0, 1>} : vector<16xf32>, vector<16xf32> -> vector<32xbf16>
        %mul3A_153 = arith.constant 16 : i32
        %mul3A_154 = arith.muli %scan3A_122, %mul3A_153 : i32
        %add3A_155 = arith.constant 1 : i32
        %add3A_156 = arith.addi %mul3A_154, %add3A_155 : i32
        %get3A_157 = arith.index_cast %add3A_156 : i32 to index
        %get3A_158 = arith.constant 0 : index
        %get3A_159 = tpu.vector_load %arg11[%get3A_157, %get3A_158] {strides = array<i32>} : memref<128x64xbf16, #tpu.memory_space<vmem>>, vector<32xbf16>,
        %mul3A_160 = arith.mulf %get3A_159, %pack3A_152 : vector<32xbf16>
        %convert_element_type3A_161 = arith.fptosi %mul3A_160 : vector<32xbf16> to vector<32xi16>
        %swap3A_162 = arith.index_cast %add3A_156 : i32 to index
        %swap3A_163 = arith.constant 0 : index
        %swap3A_164 = tpu.vector_load %arg13[%swap3A_162, %swap3A_163] {strides = array<i32>} : memref<128x64xi16, #tpu.memory_space<vmem>>, vector<32xi16>,
        tpu.vector_store %arg13[%swap3A_162, %swap3A_163], %convert_element_type3A_161 {strides = array<i32>} : memref<128x64xi16, #tpu.memory_space<vmem>>, vector<32xi16>,
        %get3A_165 = arith.index_cast %add3A_156 : i32 to index
        %get3A_166 = arith.constant 32 : index
        %get3A_167 = tpu.vector_load %arg11[%get3A_165, %get3A_166] {strides = array<i32>} : memref<128x64xbf16, #tpu.memory_space<vmem>>, vector<32xbf16>,
        %mul3A_168 = arith.mulf %get3A_167, %pack3A_152 : vector<32xbf16>
        %convert_element_type3A_169 = arith.fptosi %mul3A_168 : vector<32xbf16> to vector<32xi16>
        %swap3A_170 = arith.index_cast %add3A_156 : i32 to index
        %swap3A_171 = arith.constant 32 : index
        %swap3A_172 = tpu.vector_load %arg13[%swap3A_170, %swap3A_171] {strides = array<i32>} : memref<128x64xi16, #tpu.memory_space<vmem>>, vector<32xi16>,
        tpu.vector_store %arg13[%swap3A_170, %swap3A_171], %convert_element_type3A_169 {strides = array<i32>} : memref<128x64xi16, #tpu.memory_space<vmem>>, vector<32xi16>,
        %broadcast_in_dim3A_173 = arith.constant 2 : i32
        %broadcast_in_dim3A_174 = vector.broadcast %broadcast_in_dim3A_173 : i32 to vector<16x1xi32>
        %gather3A_175 = vector.shape_cast %broadcast_in_dim3A_174 : vector<16x1xi32> to vector<16xi32>
        %gather3A_176 = tpu.dynamic_gather %get3A_126[%gather3A_175] in [0] : vector<16xf32>, vector<16xi32> -> vector<16xf32>
        %pack3A_177 = tpu.pack_subelements %gather3A_176, %gather3A_176 {pack_format = #tpu.pack_format<interleaved>, positions = array<i32: 0, 1>} : vector<16xf32>, vector<16xf32> -> vector<32xbf16>
        %mul3A_178 = arith.constant 16 : i32
        %mul3A_179 = arith.muli %scan3A_122, %mul3A_178 : i32
        %add3A_180 = arith.constant 2 : i32
        %add3A_181 = arith.addi %mul3A_179, %add3A_180 : i32
        %get3A_182 = arith.index_cast %add3A_181 : i32 to index
        %get3A_183 = arith.constant 0 : index
        %get3A_184 = tpu.vector_load %arg11[%get3A_182, %get3A_183] {strides = array<i32>} : memref<128x64xbf16, #tpu.memory_space<vmem>>, vector<32xbf16>,
        %mul3A_185 = arith.mulf %get3A_184, %pack3A_177 : vector<32xbf16>
        %convert_element_type3A_186 = arith.fptosi %mul3A_185 : vector<32xbf16> to vector<32xi16>
        %swap3A_187 = arith.index_cast %add3A_181 : i32 to index
        %swap3A_188 = arith.constant 0 : index
        %swap3A_189 = tpu.vector_load %arg13[%swap3A_187, %swap3A_188] {strides = array<i32>} : memref<128x64xi16, #tpu.memory_space<vmem>>, vector<32xi16>,
        tpu.vector_store %arg13[%swap3A_187, %swap3A_188], %convert_element_type3A_186 {strides = array<i32>} : memref<128x64xi16, #tpu.memory_space<vmem>>, vector<32xi16>,
        %get3A_190 = arith.index_cast %add3A_181 : i32 to index
        %get3A_191 = arith.constant 32 : index
        %get3A_192 = tpu.vector_load %arg11[%get3A_190, %get3A_191] {strides = array<i32>} : memref<128x64xbf16, #tpu.memory_space<vmem>>, vector<32xbf16>,
        %mul3A_193 = arith.mulf %get3A_192, %pack3A_177 : vector<32xbf16>
        %convert_element_type3A_194 = arith.fptosi %mul3A_193 : vector<32xbf16> to vector<32xi16>
        %swap3A_195 = arith.index_cast %add3A_181 : i32 to index
        %swap3A_196 = arith.constant 32 : index
        %swap3A_197 = tpu.vector_load %arg13[%swap3A_195, %swap3A_196] {strides = array<i32>} : memref<128x64xi16, #tpu.memory_space<vmem>>, vector<32xi16>,
        tpu.vector_store %arg13[%swap3A_195, %swap3A_196], %convert_element_type3A_194 {strides = array<i32>} : memref<128x64xi16, #tpu.memory_space<vmem>>, vector<32xi16>,
        %broadcast_in_dim3A_198 = arith.constant 3 : i32
        %broadcast_in_dim3A_199 = vector.broadcast %broadcast_in_dim3A_198 : i32 to vector<16x1xi32>
        %gather3A_200 = vector.shape_cast %broadcast_in_dim3A_199 : vector<16x1xi32> to vector<16xi32>
        %gather3A_201 = tpu.dynamic_gather %get3A_126[%gather3A_200] in [0] : vector<16xf32>, vector<16xi32> -> vector<16xf32>
        %pack3A_202 = tpu.pack_subelements %gather3A_201, %gather3A_201 {pack_format = #tpu.pack_format<interleaved>, positions = array<i32: 0, 1>} : vector<16xf32>, vector<16xf32> -> vector<32xbf16>
        %mul3A_203 = arith.constant 16 : i32
        %mul3A_204 = arith.muli %scan3A_122, %mul3A_203 : i32
        %add3A_205 = arith.constant 3 : i32
        %add3A_206 = arith.addi %mul3A_204, %add3A_205 : i32
        %get3A_207 = arith.index_cast %add3A_206 : i32 to index
        %get3A_208 = arith.constant 0 : index
        %get3A_209 = tpu.vector_load %arg11[%get3A_207, %get3A_208] {strides = array<i32>} : memref<128x64xbf16, #tpu.memory_space<vmem>>, vector<32xbf16>,
        %mul3A_210 = arith.mulf %get3A_209, %pack3A_202 : vector<32xbf16>
        %convert_element_type3A_211 = arith.fptosi %mul3A_210 : vector<32xbf16> to vector<32xi16>
        %swap3A_212 = arith.index_cast %add3A_206 : i32 to index
        %swap3A_213 = arith.constant 0 : index
        %swap3A_214 = tpu.vector_load %arg13[%swap3A_212, %swap3A_213] {strides = array<i32>} : memref<128x64xi16, #tpu.memory_space<vmem>>, vector<32xi16>,
        tpu.vector_store %arg13[%swap3A_212, %swap3A_213], %convert_element_type3A_211 {strides = array<i32>} : memref<128x64xi16, #tpu.memory_space<vmem>>, vector<32xi16>,
        %get3A_215 = arith.index_cast %add3A_206 : i32 to index
        %get3A_216 = arith.constant 32 : index
        %get3A_217 = tpu.vector_load %arg11[%get3A_215, %get3A_216] {strides = array<i32>} : memref<128x64xbf16, #tpu.memory_space<vmem>>, vector<32xbf16>,
        %mul3A_218 = arith.mulf %get3A_217, %pack3A_202 : vector<32xbf16>
        %convert_element_type3A_219 = arith.fptosi %mul3A_218 : vector<32xbf16> to vector<32xi16>
        %swap3A_220 = arith.index_cast %add3A_206 : i32 to index
        %swap3A_221 = arith.constant 32 : index
        %swap3A_222 = tpu.vector_load %arg13[%swap3A_220, %swap3A_221] {strides = array<i32>} : memref<128x64xi16, #tpu.memory_space<vmem>>, vector<32xi16>,
        tpu.vector_store %arg13[%swap3A_220, %swap3A_221], %convert_element_type3A_219 {strides = array<i32>} : memref<128x64xi16, #tpu.memory_space<vmem>>, vector<32xi16>,
        %broadcast_in_dim3A_223 = arith.constant 4 : i32
        %broadcast_in_dim3A_224 = vector.broadcast %broadcast_in_dim3A_223 : i32 to vector<16x1xi32>
        %gather3A_225 = vector.shape_cast %broadcast_in_dim3A_224 : vector<16x1xi32> to vector<16xi32>
        %gather3A_226 = tpu.dynamic_gather %get3A_126[%gather3A_225] in [0] : vector<16xf32>, vector<16xi32> -> vector<16xf32>
        %pack3A_227 = tpu.pack_subelements %gather3A_226, %gather3A_226 {pack_format = #tpu.pack_format<interleaved>, positions = array<i32: 0, 1>} : vector<16xf32>, vector<16xf32> -> vector<32xbf16>
        %mul3A_228 = arith.constant 16 : i32
        %mul3A_229 = arith.muli %scan3A_122, %mul3A_228 : i32
        %add3A_230 = arith.constant 4 : i32
        %add3A_231 = arith.addi %mul3A_229, %add3A_230 : i32
        %get3A_232 = arith.index_cast %add3A_231 : i32 to index
        %get3A_233 = arith.constant 0 : index
        %get3A_234 = tpu.vector_load %arg11[%get3A_232, %get3A_233] {strides = array<i32>} : memref<128x64xbf16, #tpu.memory_space<vmem>>, vector<32xbf16>,
        %mul3A_235 = arith.mulf %get3A_234, %pack3A_227 : vector<32xbf16>
        %convert_element_type3A_236 = arith.fptosi %mul3A_235 : vector<32xbf16> to vector<32xi16>
        %swap3A_237 = arith.index_cast %add3A_231 : i32 to index
        %swap3A_238 = arith.constant 0 : index
        %swap3A_239 = tpu.vector_load %arg13[%swap3A_237, %swap3A_238] {strides = array<i32>} : memref<128x64xi16, #tpu.memory_space<vmem>>, vector<32xi16>,
        tpu.vector_store %arg13[%swap3A_237, %swap3A_238], %convert_element_type3A_236 {strides = array<i32>} : memref<128x64xi16, #tpu.memory_space<vmem>>, vector<32xi16>,
        %get3A_240 = arith.index_cast %add3A_231 : i32 to index
        %get3A_241 = arith.constant 32 : index
        %get3A_242 = tpu.vector_load %arg11[%get3A_240, %get3A_241] {strides = array<i32>} : memref<128x64xbf16, #tpu.memory_space<vmem>>, vector<32xbf16>,
        %mul3A_243 = arith.mulf %get3A_242, %pack3A_227 : vector<32xbf16>
        %convert_element_type3A_244 = arith.fptosi %mul3A_243 : vector<32xbf16> to vector<32xi16>
        %swap3A_245 = arith.index_cast %add3A_231 : i32 to index
        %swap3A_246 = arith.constant 32 : index
        %swap3A_247 = tpu.vector_load %arg13[%swap3A_245, %swap3A_246] {strides = array<i32>} : memref<128x64xi16, #tpu.memory_space<vmem>>, vector<32xi16>,
        tpu.vector_store %arg13[%swap3A_245, %swap3A_246], %convert_element_type3A_244 {strides = array<i32>} : memref<128x64xi16, #tpu.memory_space<vmem>>, vector<32xi16>,
        %broadcast_in_dim3A_248 = arith.constant 5 : i32
        %broadcast_in_dim3A_249 = vector.broadcast %broadcast_in_dim3A_248 : i32 to vector<16x1xi32>
        %gather3A_250 = vector.shape_cast %broadcast_in_dim3A_249 : vector<16x1xi32> to vector<16xi32>
        %gather3A_251 = tpu.dynamic_gather %get3A_126[%gather3A_250] in [0] : vector<16xf32>, vector<16xi32> -> vector<16xf32>
        %pack3A_252 = tpu.pack_subelements %gather3A_251, %gather3A_251 {pack_format = #tpu.pack_format<interleaved>, positions = array<i32: 0, 1>} : vector<16xf32>, vector<16xf32> -> vector<32xbf16>
        %mul3A_253 = arith.constant 16 : i32
        %mul3A_254 = arith.muli %scan3A_122, %mul3A_253 : i32
        %add3A_255 = arith.constant 5 : i32
        %add3A_256 = arith.addi %mul3A_254, %add3A_255 : i32
        %get3A_257 = arith.index_cast %add3A_256 : i32 to index
        %get3A_258 = arith.constant 0 : index
        %get3A_259 = tpu.vector_load %arg11[%get3A_257, %get3A_258] {strides = array<i32>} : memref<128x64xbf16, #tpu.memory_space<vmem>>, vector<32xbf16>,
        %mul3A_260 = arith.mulf %get3A_259, %pack3A_252 : vector<32xbf16>
        %convert_element_type3A_261 = arith.fptosi %mul3A_260 : vector<32xbf16> to vector<32xi16>
        %swap3A_262 = arith.index_cast %add3A_256 : i32 to index
        %swap3A_263 = arith.constant 0 : index
        %swap3A_264 = tpu.vector_load %arg13[%swap3A_262, %swap3A_263] {strides = array<i32>} : memref<128x64xi16, #tpu.memory_space<vmem>>, vector<32xi16>,
        tpu.vector_store %arg13[%swap3A_262, %swap3A_263], %convert_element_type3A_261 {strides = array<i32>} : memref<128x64xi16, #tpu.memory_space<vmem>>, vector<32xi16>,
        %get3A_265 = arith.index_cast %add3A_256 : i32 to index
        %get3A_266 = arith.constant 32 : index
        %get3A_267 = tpu.vector_load %arg11[%get3A_265, %get3A_266] {strides = array<i32>} : memref<128x64xbf16, #tpu.memory_space<vmem>>, vector<32xbf16>,
        %mul3A_268 = arith.mulf %get3A_267, %pack3A_252 : vector<32xbf16>
        %convert_element_type3A_269 = arith.fptosi %mul3A_268 : vector<32xbf16> to vector<32xi16>
        %swap3A_270 = arith.index_cast %add3A_256 : i32 to index
        %swap3A_271 = arith.constant 32 : index
        %swap3A_272 = tpu.vector_load %arg13[%swap3A_270, %swap3A_271] {strides = array<i32>} : memref<128x64xi16, #tpu.memory_space<vmem>>, vector<32xi16>,
        tpu.vector_store %arg13[%swap3A_270, %swap3A_271], %convert_element_type3A_269 {strides = array<i32>} : memref<128x64xi16, #tpu.memory_space<vmem>>, vector<32xi16>,
        %broadcast_in_dim3A_273 = arith.constant 6 : i32
        %broadcast_in_dim3A_274 = vector.broadcast %broadcast_in_dim3A_273 : i32 to vector<16x1xi32>
        %gather3A_275 = vector.shape_cast %broadcast_in_dim3A_274 : vector<16x1xi32> to vector<16xi32>
        %gather3A_276 = tpu.dynamic_gather %get3A_126[%gather3A_275] in [0] : vector<16xf32>, vector<16xi32> -> vector<16xf32>
        %pack3A_277 = tpu.pack_subelements %gather3A_276, %gather3A_276 {pack_format = #tpu.pack_format<interleaved>, positions = array<i32: 0, 1>} : vector<16xf32>, vector<16xf32> -> vector<32xbf16>
        %mul3A_278 = arith.constant 16 : i32
        %mul3A_279 = arith.muli %scan3A_122, %mul3A_278 : i32
        %add3A_280 = arith.constant 6 : i32
        %add3A_281 = arith.addi %mul3A_279, %add3A_280 : i32
        %get3A_282 = arith.index_cast %add3A_281 : i32 to index
        %get3A_283 = arith.constant 0 : index
        %get3A_284 = tpu.vector_load %arg11[%get3A_282, %get3A_283] {strides = array<i32>} : memref<128x64xbf16, #tpu.memory_space<vmem>>, vector<32xbf16>,
        %mul3A_285 = arith.mulf %get3A_284, %pack3A_277 : vector<32xbf16>
        %convert_element_type3A_286 = arith.fptosi %mul3A_285 : vector<32xbf16> to vector<32xi16>
        %swap3A_287 = arith.index_cast %add3A_281 : i32 to index
        %swap3A_288 = arith.constant 0 : index
        %swap3A_289 = tpu.vector_load %arg13[%swap3A_287, %swap3A_288] {strides = array<i32>} : memref<128x64xi16, #tpu.memory_space<vmem>>, vector<32xi16>,
        tpu.vector_store %arg13[%swap3A_287, %swap3A_288], %convert_element_type3A_286 {strides = array<i32>} : memref<128x64xi16, #tpu.memory_space<vmem>>, vector<32xi16>,
        %get3A_290 = arith.index_cast %add3A_281 : i32 to index
        %get3A_291 = arith.constant 32 : index
        %get3A_292 = tpu.vector_load %arg11[%get3A_290, %get3A_291] {strides = array<i32>} : memref<128x64xbf16, #tpu.memory_space<vmem>>, vector<32xbf16>,
        %mul3A_293 = arith.mulf %get3A_292, %pack3A_277 : vector<32xbf16>
        %convert_element_type3A_294 = arith.fptosi %mul3A_293 : vector<32xbf16> to vector<32xi16>
        %swap3A_295 = arith.index_cast %add3A_281 : i32 to index
        %swap3A_296 = arith.constant 32 : index
        %swap3A_297 = tpu.vector_load %arg13[%swap3A_295, %swap3A_296] {strides = array<i32>} : memref<128x64xi16, #tpu.memory_space<vmem>>, vector<32xi16>,
        tpu.vector_store %arg13[%swap3A_295, %swap3A_296], %convert_element_type3A_294 {strides = array<i32>} : memref<128x64xi16, #tpu.memory_space<vmem>>, vector<32xi16>,
        %broadcast_in_dim3A_298 = arith.constant 7 : i32
        %broadcast_in_dim3A_299 = vector.broadcast %broadcast_in_dim3A_298 : i32 to vector<16x1xi32>
        %gather3A_300 = vector.shape_cast %broadcast_in_dim3A_299 : vector<16x1xi32> to vector<16xi32>
        %gather3A_301 = tpu.dynamic_gather %get3A_126[%gather3A_300] in [0] : vector<16xf32>, vector<16xi32> -> vector<16xf32>
        %pack3A_302 = tpu.pack_subelements %gather3A_301, %gather3A_301 {pack_format = #tpu.pack_format<interleaved>, positions = array<i32: 0, 1>} : vector<16xf32>, vector<16xf32> -> vector<32xbf16>
        %mul3A_303 = arith.constant 16 : i32
        %mul3A_304 = arith.muli %scan3A_122, %mul3A_303 : i32
        %add3A_305 = arith.constant 7 : i32
        %add3A_306 = arith.addi %mul3A_304, %add3A_305 : i32
        %get3A_307 = arith.index_cast %add3A_306 : i32 to index
        %get3A_308 = arith.constant 0 : index
        %get3A_309 = tpu.vector_load %arg11[%get3A_307, %get3A_308] {strides = array<i32>} : memref<128x64xbf16, #tpu.memory_space<vmem>>, vector<32xbf16>,
        %mul3A_310 = arith.mulf %get3A_309, %pack3A_302 : vector<32xbf16>
        %convert_element_type3A_311 = arith.fptosi %mul3A_310 : vector<32xbf16> to vector<32xi16>
        %swap3A_312 = arith.index_cast %add3A_306 : i32 to index
        %swap3A_313 = arith.constant 0 : index
        %swap3A_314 = tpu.vector_load %arg13[%swap3A_312, %swap3A_313] {strides = array<i32>} : memref<128x64xi16, #tpu.memory_space<vmem>>, vector<32xi16>,
        tpu.vector_store %arg13[%swap3A_312, %swap3A_313], %convert_element_type3A_311 {strides = array<i32>} : memref<128x64xi16, #tpu.memory_space<vmem>>, vector<32xi16>,
        %get3A_315 = arith.index_cast %add3A_306 : i32 to index
        %get3A_316 = arith.constant 32 : index
        %get3A_317 = tpu.vector_load %arg11[%get3A_315, %get3A_316] {strides = array<i32>} : memref<128x64xbf16, #tpu.memory_space<vmem>>, vector<32xbf16>,
        %mul3A_318 = arith.mulf %get3A_317, %pack3A_302 : vector<32xbf16>
        %convert_element_type3A_319 = arith.fptosi %mul3A_318 : vector<32xbf16> to vector<32xi16>
        %swap3A_320 = arith.index_cast %add3A_306 : i32 to index
        %swap3A_321 = arith.constant 32 : index
        %swap3A_322 = tpu.vector_load %arg13[%swap3A_320, %swap3A_321] {strides = array<i32>} : memref<128x64xi16, #tpu.memory_space<vmem>>, vector<32xi16>,
        tpu.vector_store %arg13[%swap3A_320, %swap3A_321], %convert_element_type3A_319 {strides = array<i32>} : memref<128x64xi16, #tpu.memory_space<vmem>>, vector<32xi16>,
        %broadcast_in_dim3A_323 = arith.constant 8 : i32
        %broadcast_in_dim3A_324 = vector.broadcast %broadcast_in_dim3A_323 : i32 to vector<16x1xi32>
        %gather3A_325 = vector.shape_cast %broadcast_in_dim3A_324 : vector<16x1xi32> to vector<16xi32>
        %gather3A_326 = tpu.dynamic_gather %get3A_126[%gather3A_325] in [0] : vector<16xf32>, vector<16xi32> -> vector<16xf32>
        %pack3A_327 = tpu.pack_subelements %gather3A_326, %gather3A_326 {pack_format = #tpu.pack_format<interleaved>, positions = array<i32: 0, 1>} : vector<16xf32>, vector<16xf32> -> vector<32xbf16>
        %mul3A_328 = arith.constant 16 : i32
        %mul3A_329 = arith.muli %scan3A_122, %mul3A_328 : i32
        %add3A_330 = arith.constant 8 : i32
        %add3A_331 = arith.addi %mul3A_329, %add3A_330 : i32
        %get3A_332 = arith.index_cast %add3A_331 : i32 to index
        %get3A_333 = arith.constant 0 : index
        %get3A_334 = tpu.vector_load %arg11[%get3A_332, %get3A_333] {strides = array<i32>} : memref<128x64xbf16, #tpu.memory_space<vmem>>, vector<32xbf16>,
        %mul3A_335 = arith.mulf %get3A_334, %pack3A_327 : vector<32xbf16>
        %convert_element_type3A_336 = arith.fptosi %mul3A_335 : vector<32xbf16> to vector<32xi16>
        %swap3A_337 = arith.index_cast %add3A_331 : i32 to index
        %swap3A_338 = arith.constant 0 : index
        %swap3A_339 = tpu.vector_load %arg13[%swap3A_337, %swap3A_338] {strides = array<i32>} : memref<128x64xi16, #tpu.memory_space<vmem>>, vector<32xi16>,
        tpu.vector_store %arg13[%swap3A_337, %swap3A_338], %convert_element_type3A_336 {strides = array<i32>} : memref<128x64xi16, #tpu.memory_space<vmem>>, vector<32xi16>,
        %get3A_340 = arith.index_cast %add3A_331 : i32 to index
        %get3A_341 = arith.constant 32 : index
        %get3A_342 = tpu.vector_load %arg11[%get3A_340, %get3A_341] {strides = array<i32>} : memref<128x64xbf16, #tpu.memory_space<vmem>>, vector<32xbf16>,
        %mul3A_343 = arith.mulf %get3A_342, %pack3A_327 : vector<32xbf16>
        %convert_element_type3A_344 = arith.fptosi %mul3A_343 : vector<32xbf16> to vector<32xi16>
        %swap3A_345 = arith.index_cast %add3A_331 : i32 to index
        %swap3A_346 = arith.constant 32 : index
        %swap3A_347 = tpu.vector_load %arg13[%swap3A_345, %swap3A_346] {strides = array<i32>} : memref<128x64xi16, #tpu.memory_space<vmem>>, vector<32xi16>,
        tpu.vector_store %arg13[%swap3A_345, %swap3A_346], %convert_element_type3A_344 {strides = array<i32>} : memref<128x64xi16, #tpu.memory_space<vmem>>, vector<32xi16>,
        %broadcast_in_dim3A_348 = arith.constant 9 : i32
        %broadcast_in_dim3A_349 = vector.broadcast %broadcast_in_dim3A_348 : i32 to vector<16x1xi32>
        %gather3A_350 = vector.shape_cast %broadcast_in_dim3A_349 : vector<16x1xi32> to vector<16xi32>
        %gather3A_351 = tpu.dynamic_gather %get3A_126[%gather3A_350] in [0] : vector<16xf32>, vector<16xi32> -> vector<16xf32>
        %pack3A_352 = tpu.pack_subelements %gather3A_351, %gather3A_351 {pack_format = #tpu.pack_format<interleaved>, positions = array<i32: 0, 1>} : vector<16xf32>, vector<16xf32> -> vector<32xbf16>
        %mul3A_353 = arith.constant 16 : i32
        %mul3A_354 = arith.muli %scan3A_122, %mul3A_353 : i32
        %add3A_355 = arith.constant 9 : i32
        %add3A_356 = arith.addi %mul3A_354, %add3A_355 : i32
        %get3A_357 = arith.index_cast %add3A_356 : i32 to index
        %get3A_358 = arith.constant 0 : index
        %get3A_359 = tpu.vector_load %arg11[%get3A_357, %get3A_358] {strides = array<i32>} : memref<128x64xbf16, #tpu.memory_space<vmem>>, vector<32xbf16>,
        %mul3A_360 = arith.mulf %get3A_359, %pack3A_352 : vector<32xbf16>
        %convert_element_type3A_361 = arith.fptosi %mul3A_360 : vector<32xbf16> to vector<32xi16>
        %swap3A_362 = arith.index_cast %add3A_356 : i32 to index
        %swap3A_363 = arith.constant 0 : index
        %swap3A_364 = tpu.vector_load %arg13[%swap3A_362, %swap3A_363] {strides = array<i32>} : memref<128x64xi16, #tpu.memory_space<vmem>>, vector<32xi16>,
        tpu.vector_store %arg13[%swap3A_362, %swap3A_363], %convert_element_type3A_361 {strides = array<i32>} : memref<128x64xi16, #tpu.memory_space<vmem>>, vector<32xi16>,
        %get3A_365 = arith.index_cast %add3A_356 : i32 to index
        %get3A_366 = arith.constant 32 : index
        %get3A_367 = tpu.vector_load %arg11[%get3A_365, %get3A_366] {strides = array<i32>} : memref<128x64xbf16, #tpu.memory_space<vmem>>, vector<32xbf16>,
        %mul3A_368 = arith.mulf %get3A_367, %pack3A_352 : vector<32xbf16>
        %convert_element_type3A_369 = arith.fptosi %mul3A_368 : vector<32xbf16> to vector<32xi16>
        %swap3A_370 = arith.index_cast %add3A_356 : i32 to index
        %swap3A_371 = arith.constant 32 : index
        %swap3A_372 = tpu.vector_load %arg13[%swap3A_370, %swap3A_371] {strides = array<i32>} : memref<128x64xi16, #tpu.memory_space<vmem>>, vector<32xi16>,
        tpu.vector_store %arg13[%swap3A_370, %swap3A_371], %convert_element_type3A_369 {strides = array<i32>} : memref<128x64xi16, #tpu.memory_space<vmem>>, vector<32xi16>,
        %broadcast_in_dim3A_373 = arith.constant 10 : i32
        %broadcast_in_dim3A_374 = vector.broadcast %broadcast_in_dim3A_373 : i32 to vector<16x1xi32>
        %gather3A_375 = vector.shape_cast %broadcast_in_dim3A_374 : vector<16x1xi32> to vector<16xi32>
        %gather3A_376 = tpu.dynamic_gather %get3A_126[%gather3A_375] in [0] : vector<16xf32>, vector<16xi32> -> vector<16xf32>
        %pack3A_377 = tpu.pack_subelements %gather3A_376, %gather3A_376 {pack_format = #tpu.pack_format<interleaved>, positions = array<i32: 0, 1>} : vector<16xf32>, vector<16xf32> -> vector<32xbf16>
        %mul3A_378 = arith.constant 16 : i32
        %mul3A_379 = arith.muli %scan3A_122, %mul3A_378 : i32
        %add3A_380 = arith.constant 10 : i32
        %add3A_381 = arith.addi %mul3A_379, %add3A_380 : i32
        %get3A_382 = arith.index_cast %add3A_381 : i32 to index
        %get3A_383 = arith.constant 0 : index
        %get3A_384 = tpu.vector_load %arg11[%get3A_382, %get3A_383] {strides = array<i32>} : memref<128x64xbf16, #tpu.memory_space<vmem>>, vector<32xbf16>,
        %mul3A_385 = arith.mulf %get3A_384, %pack3A_377 : vector<32xbf16>
        %convert_element_type3A_386 = arith.fptosi %mul3A_385 : vector<32xbf16> to vector<32xi16>
        %swap3A_387 = arith.index_cast %add3A_381 : i32 to index
        %swap3A_388 = arith.constant 0 : index
        %swap3A_389 = tpu.vector_load %arg13[%swap3A_387, %swap3A_388] {strides = array<i32>} : memref<128x64xi16, #tpu.memory_space<vmem>>, vector<32xi16>,
        tpu.vector_store %arg13[%swap3A_387, %swap3A_388], %convert_element_type3A_386 {strides = array<i32>} : memref<128x64xi16, #tpu.memory_space<vmem>>, vector<32xi16>,
        %get3A_390 = arith.index_cast %add3A_381 : i32 to index
        %get3A_391 = arith.constant 32 : index
        %get3A_392 = tpu.vector_load %arg11[%get3A_390, %get3A_391] {strides = array<i32>} : memref<128x64xbf16, #tpu.memory_space<vmem>>, vector<32xbf16>,
        %mul3A_393 = arith.mulf %get3A_392, %pack3A_377 : vector<32xbf16>
        %convert_element_type3A_394 = arith.fptosi %mul3A_393 : vector<32xbf16> to vector<32xi16>
        %swap3A_395 = arith.index_cast %add3A_381 : i32 to index
        %swap3A_396 = arith.constant 32 : index
        %swap3A_397 = tpu.vector_load %arg13[%swap3A_395, %swap3A_396] {strides = array<i32>} : memref<128x64xi16, #tpu.memory_space<vmem>>, vector<32xi16>,
        tpu.vector_store %arg13[%swap3A_395, %swap3A_396], %convert_element_type3A_394 {strides = array<i32>} : memref<128x64xi16, #tpu.memory_space<vmem>>, vector<32xi16>,
        %broadcast_in_dim3A_398 = arith.constant 11 : i32
        %broadcast_in_dim3A_399 = vector.broadcast %broadcast_in_dim3A_398 : i32 to vector<16x1xi32>
        %gather3A_400 = vector.shape_cast %broadcast_in_dim3A_399 : vector<16x1xi32> to vector<16xi32>
        %gather3A_401 = tpu.dynamic_gather %get3A_126[%gather3A_400] in [0] : vector<16xf32>, vector<16xi32> -> vector<16xf32>
        %pack3A_402 = tpu.pack_subelements %gather3A_401, %gather3A_401 {pack_format = #tpu.pack_format<interleaved>, positions = array<i32: 0, 1>} : vector<16xf32>, vector<16xf32> -> vector<32xbf16>
        %mul3A_403 = arith.constant 16 : i32
        %mul3A_404 = arith.muli %scan3A_122, %mul3A_403 : i32
        %add3A_405 = arith.constant 11 : i32
        %add3A_406 = arith.addi %mul3A_404, %add3A_405 : i32
        %get3A_407 = arith.index_cast %add3A_406 : i32 to index
        %get3A_408 = arith.constant 0 : index
        %get3A_409 = tpu.vector_load %arg11[%get3A_407, %get3A_408] {strides = array<i32>} : memref<128x64xbf16, #tpu.memory_space<vmem>>, vector<32xbf16>,
        %mul3A_410 = arith.mulf %get3A_409, %pack3A_402 : vector<32xbf16>
        %convert_element_type3A_411 = arith.fptosi %mul3A_410 : vector<32xbf16> to vector<32xi16>
        %swap3A_412 = arith.index_cast %add3A_406 : i32 to index
        %swap3A_413 = arith.constant 0 : index
        %swap3A_414 = tpu.vector_load %arg13[%swap3A_412, %swap3A_413] {strides = array<i32>} : memref<128x64xi16, #tpu.memory_space<vmem>>, vector<32xi16>,
        tpu.vector_store %arg13[%swap3A_412, %swap3A_413], %convert_element_type3A_411 {strides = array<i32>} : memref<128x64xi16, #tpu.memory_space<vmem>>, vector<32xi16>,
        %get3A_415 = arith.index_cast %add3A_406 : i32 to index
        %get3A_416 = arith.constant 32 : index
        %get3A_417 = tpu.vector_load %arg11[%get3A_415, %get3A_416] {strides = array<i32>} : memref<128x64xbf16, #tpu.memory_space<vmem>>, vector<32xbf16>,
        %mul3A_418 = arith.mulf %get3A_417, %pack3A_402 : vector<32xbf16>
        %convert_element_type3A_419 = arith.fptosi %mul3A_418 : vector<32xbf16> to vector<32xi16>
        %swap3A_420 = arith.index_cast %add3A_406 : i32 to index
        %swap3A_421 = arith.constant 32 : index
        %swap3A_422 = tpu.vector_load %arg13[%swap3A_420, %swap3A_421] {strides = array<i32>} : memref<128x64xi16, #tpu.memory_space<vmem>>, vector<32xi16>,
        tpu.vector_store %arg13[%swap3A_420, %swap3A_421], %convert_element_type3A_419 {strides = array<i32>} : memref<128x64xi16, #tpu.memory_space<vmem>>, vector<32xi16>,
        %broadcast_in_dim3A_423 = arith.constant 12 : i32
        %broadcast_in_dim3A_424 = vector.broadcast %broadcast_in_dim3A_423 : i32 to vector<16x1xi32>
        %gather3A_425 = vector.shape_cast %broadcast_in_dim3A_424 : vector<16x1xi32> to vector<16xi32>
        %gather3A_426 = tpu.dynamic_gather %get3A_126[%gather3A_425] in [0] : vector<16xf32>, vector<16xi32> -> vector<16xf32>
        %pack3A_427 = tpu.pack_subelements %gather3A_426, %gather3A_426 {pack_format = #tpu.pack_format<interleaved>, positions = array<i32: 0, 1>} : vector<16xf32>, vector<16xf32> -> vector<32xbf16>
        %mul3A_428 = arith.constant 16 : i32
        %mul3A_429 = arith.muli %scan3A_122, %mul3A_428 : i32
        %add3A_430 = arith.constant 12 : i32
        %add3A_431 = arith.addi %mul3A_429, %add3A_430 : i32
        %get3A_432 = arith.index_cast %add3A_431 : i32 to index
        %get3A_433 = arith.constant 0 : index
        %get3A_434 = tpu.vector_load %arg11[%get3A_432, %get3A_433] {strides = array<i32>} : memref<128x64xbf16, #tpu.memory_space<vmem>>, vector<32xbf16>,
        %mul3A_435 = arith.mulf %get3A_434, %pack3A_427 : vector<32xbf16>
        %convert_element_type3A_436 = arith.fptosi %mul3A_435 : vector<32xbf16> to vector<32xi16>
        %swap3A_437 = arith.index_cast %add3A_431 : i32 to index
        %swap3A_438 = arith.constant 0 : index
        %swap3A_439 = tpu.vector_load %arg13[%swap3A_437, %swap3A_438] {strides = array<i32>} : memref<128x64xi16, #tpu.memory_space<vmem>>, vector<32xi16>,
        tpu.vector_store %arg13[%swap3A_437, %swap3A_438], %convert_element_type3A_436 {strides = array<i32>} : memref<128x64xi16, #tpu.memory_space<vmem>>, vector<32xi16>,
        %get3A_440 = arith.index_cast %add3A_431 : i32 to index
        %get3A_441 = arith.constant 32 : index
        %get3A_442 = tpu.vector_load %arg11[%get3A_440, %get3A_441] {strides = array<i32>} : memref<128x64xbf16, #tpu.memory_space<vmem>>, vector<32xbf16>,
        %mul3A_443 = arith.mulf %get3A_442, %pack3A_427 : vector<32xbf16>
        %convert_element_type3A_444 = arith.fptosi %mul3A_443 : vector<32xbf16> to vector<32xi16>
        %swap3A_445 = arith.index_cast %add3A_431 : i32 to index
        %swap3A_446 = arith.constant 32 : index
        %swap3A_447 = tpu.vector_load %arg13[%swap3A_445, %swap3A_446] {strides = array<i32>} : memref<128x64xi16, #tpu.memory_space<vmem>>, vector<32xi16>,
        tpu.vector_store %arg13[%swap3A_445, %swap3A_446], %convert_element_type3A_444 {strides = array<i32>} : memref<128x64xi16, #tpu.memory_space<vmem>>, vector<32xi16>,
        %broadcast_in_dim3A_448 = arith.constant 13 : i32
        %broadcast_in_dim3A_449 = vector.broadcast %broadcast_in_dim3A_448 : i32 to vector<16x1xi32>
        %gather3A_450 = vector.shape_cast %broadcast_in_dim3A_449 : vector<16x1xi32> to vector<16xi32>
        %gather3A_451 = tpu.dynamic_gather %get3A_126[%gather3A_450] in [0] : vector<16xf32>, vector<16xi32> -> vector<16xf32>
        %pack3A_452 = tpu.pack_subelements %gather3A_451, %gather3A_451 {pack_format = #tpu.pack_format<interleaved>, positions = array<i32: 0, 1>} : vector<16xf32>, vector<16xf32> -> vector<32xbf16>
        %mul3A_453 = arith.constant 16 : i32
        %mul3A_454 = arith.muli %scan3A_122, %mul3A_453 : i32
        %add3A_455 = arith.constant 13 : i32
        %add3A_456 = arith.addi %mul3A_454, %add3A_455 : i32
        %get3A_457 = arith.index_cast %add3A_456 : i32 to index
        %get3A_458 = arith.constant 0 : index
        %get3A_459 = tpu.vector_load %arg11[%get3A_457, %get3A_458] {strides = array<i32>} : memref<128x64xbf16, #tpu.memory_space<vmem>>, vector<32xbf16>,
        %mul3A_460 = arith.mulf %get3A_459, %pack3A_452 : vector<32xbf16>
        %convert_element_type3A_461 = arith.fptosi %mul3A_460 : vector<32xbf16> to vector<32xi16>
        %swap3A_462 = arith.index_cast %add3A_456 : i32 to index
        %swap3A_463 = arith.constant 0 : index
        %swap3A_464 = tpu.vector_load %arg13[%swap3A_462, %swap3A_463] {strides = array<i32>} : memref<128x64xi16, #tpu.memory_space<vmem>>, vector<32xi16>,
        tpu.vector_store %arg13[%swap3A_462, %swap3A_463], %convert_element_type3A_461 {strides = array<i32>} : memref<128x64xi16, #tpu.memory_space<vmem>>, vector<32xi16>,
        %get3A_465 = arith.index_cast %add3A_456 : i32 to index
        %get3A_466 = arith.constant 32 : index
        %get3A_467 = tpu.vector_load %arg11[%get3A_465, %get3A_466] {strides = array<i32>} : memref<128x64xbf16, #tpu.memory_space<vmem>>, vector<32xbf16>,
        %mul3A_468 = arith.mulf %get3A_467, %pack3A_452 : vector<32xbf16>
        %convert_element_type3A_469 = arith.fptosi %mul3A_468 : vector<32xbf16> to vector<32xi16>
        %swap3A_470 = arith.index_cast %add3A_456 : i32 to index
        %swap3A_471 = arith.constant 32 : index
        %swap3A_472 = tpu.vector_load %arg13[%swap3A_470, %swap3A_471] {strides = array<i32>} : memref<128x64xi16, #tpu.memory_space<vmem>>, vector<32xi16>,
        tpu.vector_store %arg13[%swap3A_470, %swap3A_471], %convert_element_type3A_469 {strides = array<i32>} : memref<128x64xi16, #tpu.memory_space<vmem>>, vector<32xi16>,
        %broadcast_in_dim3A_473 = arith.constant 14 : i32
        %broadcast_in_dim3A_474 = vector.broadcast %broadcast_in_dim3A_473 : i32 to vector<16x1xi32>
        %gather3A_475 = vector.shape_cast %broadcast_in_dim3A_474 : vector<16x1xi32> to vector<16xi32>
        %gather3A_476 = tpu.dynamic_gather %get3A_126[%gather3A_475] in [0] : vector<16xf32>, vector<16xi32> -> vector<16xf32>
        %pack3A_477 = tpu.pack_subelements %gather3A_476, %gather3A_476 {pack_format = #tpu.pack_format<interleaved>, positions = array<i32: 0, 1>} : vector<16xf32>, vector<16xf32> -> vector<32xbf16>
        %mul3A_478 = arith.constant 16 : i32
        %mul3A_479 = arith.muli %scan3A_122, %mul3A_478 : i32
        %add3A_480 = arith.constant 14 : i32
        %add3A_481 = arith.addi %mul3A_479, %add3A_480 : i32
        %get3A_482 = arith.index_cast %add3A_481 : i32 to index
        %get3A_483 = arith.constant 0 : index
        %get3A_484 = tpu.vector_load %arg11[%get3A_482, %get3A_483] {strides = array<i32>} : memref<128x64xbf16, #tpu.memory_space<vmem>>, vector<32xbf16>,
        %mul3A_485 = arith.mulf %get3A_484, %pack3A_477 : vector<32xbf16>
        %convert_element_type3A_486 = arith.fptosi %mul3A_485 : vector<32xbf16> to vector<32xi16>
        %swap3A_487 = arith.index_cast %add3A_481 : i32 to index
        %swap3A_488 = arith.constant 0 : index
        %swap3A_489 = tpu.vector_load %arg13[%swap3A_487, %swap3A_488] {strides = array<i32>} : memref<128x64xi16, #tpu.memory_space<vmem>>, vector<32xi16>,
        tpu.vector_store %arg13[%swap3A_487, %swap3A_488], %convert_element_type3A_486 {strides = array<i32>} : memref<128x64xi16, #tpu.memory_space<vmem>>, vector<32xi16>,
        %get3A_490 = arith.index_cast %add3A_481 : i32 to index
        %get3A_491 = arith.constant 32 : index
        %get3A_492 = tpu.vector_load %arg11[%get3A_490, %get3A_491] {strides = array<i32>} : memref<128x64xbf16, #tpu.memory_space<vmem>>, vector<32xbf16>,
        %mul3A_493 = arith.mulf %get3A_492, %pack3A_477 : vector<32xbf16>
        %convert_element_type3A_494 = arith.fptosi %mul3A_493 : vector<32xbf16> to vector<32xi16>
        %swap3A_495 = arith.index_cast %add3A_481 : i32 to index
        %swap3A_496 = arith.constant 32 : index
        %swap3A_497 = tpu.vector_load %arg13[%swap3A_495, %swap3A_496] {strides = array<i32>} : memref<128x64xi16, #tpu.memory_space<vmem>>, vector<32xi16>,
        tpu.vector_store %arg13[%swap3A_495, %swap3A_496], %convert_element_type3A_494 {strides = array<i32>} : memref<128x64xi16, #tpu.memory_space<vmem>>, vector<32xi16>,
        %broadcast_in_dim3A_498 = arith.constant 15 : i32
        %broadcast_in_dim3A_499 = vector.broadcast %broadcast_in_dim3A_498 : i32 to vector<16x1xi32>
        %gather3A_500 = vector.shape_cast %broadcast_in_dim3A_499 : vector<16x1xi32> to vector<16xi32>
        %gather3A_501 = tpu.dynamic_gather %get3A_126[%gather3A_500] in [0] : vector<16xf32>, vector<16xi32> -> vector<16xf32>
        %pack3A_502 = tpu.pack_subelements %gather3A_501, %gather3A_501 {pack_format = #tpu.pack_format<interleaved>, positions = array<i32: 0, 1>} : vector<16xf32>, vector<16xf32> -> vector<32xbf16>
        %mul3A_503 = arith.constant 16 : i32
        %mul3A_504 = arith.muli %scan3A_122, %mul3A_503 : i32
        %add3A_505 = arith.constant 15 : i32
        %add3A_506 = arith.addi %mul3A_504, %add3A_505 : i32
        %get3A_507 = arith.index_cast %add3A_506 : i32 to index
        %get3A_508 = arith.constant 0 : index
        %get3A_509 = tpu.vector_load %arg11[%get3A_507, %get3A_508] {strides = array<i32>} : memref<128x64xbf16, #tpu.memory_space<vmem>>, vector<32xbf16>,
        %mul3A_510 = arith.mulf %get3A_509, %pack3A_502 : vector<32xbf16>
        %convert_element_type3A_511 = arith.fptosi %mul3A_510 : vector<32xbf16> to vector<32xi16>
        %swap3A_512 = arith.index_cast %add3A_506 : i32 to index
        %swap3A_513 = arith.constant 0 : index
        %swap3A_514 = tpu.vector_load %arg13[%swap3A_512, %swap3A_513] {strides = array<i32>} : memref<128x64xi16, #tpu.memory_space<vmem>>, vector<32xi16>,
        tpu.vector_store %arg13[%swap3A_512, %swap3A_513], %convert_element_type3A_511 {strides = array<i32>} : memref<128x64xi16, #tpu.memory_space<vmem>>, vector<32xi16>,
        %get3A_515 = arith.index_cast %add3A_506 : i32 to index
        %get3A_516 = arith.constant 32 : index
        %get3A_517 = tpu.vector_load %arg11[%get3A_515, %get3A_516] {strides = array<i32>} : memref<128x64xbf16, #tpu.memory_space<vmem>>, vector<32xbf16>,
        %mul3A_518 = arith.mulf %get3A_517, %pack3A_502 : vector<32xbf16>
        %convert_element_type3A_519 = arith.fptosi %mul3A_518 : vector<32xbf16> to vector<32xi16>
        %swap3A_520 = arith.index_cast %add3A_506 : i32 to index
        %swap3A_521 = arith.constant 32 : index
        %swap3A_522 = tpu.vector_load %arg13[%swap3A_520, %swap3A_521] {strides = array<i32>} : memref<128x64xi16, #tpu.memory_space<vmem>>, vector<32xi16>,
        tpu.vector_store %arg13[%swap3A_520, %swap3A_521], %convert_element_type3A_519 {strides = array<i32>} : memref<128x64xi16, #tpu.memory_space<vmem>>, vector<32xi16>,
      }
      %scan3A_108 = arith.constant 8 : i32
      %dma_start3A_109 = arith.constant 0 : i32
      %dma_start3A_110 = tpu.memref_slice %arg9[%add3A_87, %dma_start3A_109] : memref<160x128xi32, #tpu.memory_space<vmem>> -> memref<1x128xi32, #tpu.memory_space<vmem>>
      %dma_start3A_111 = tpu.memref_squeeze %dma_start3A_110 : memref<1x128xi32, #tpu.memory_space<vmem>> -> memref<128xi32, #tpu.memory_space<vmem>>
      %dma_start3A_112 = arith.constant 0 : i32
      %dma_start3A_113 = arith.constant 0 : i32
      %dma_start3A_114 = tpu.memref_slice %arg15[%dma_start3A_112, %dma_start3A_113] : memref<10000x64xi16, #tpu.memory_space<vmem_shared>> -> memref<10000x64xi16, #tpu.memory_space<vmem_shared>>
      tpu.enqueue_indirect_dma source(%arg13 : memref<128x64xi16, #tpu.memory_space<vmem>>) target(%dma_start3A_114 : memref<10000x64xi16, #tpu.memory_space<vmem_shared>>) offsets(%dma_start3A_111 : memref<128xi32, #tpu.memory_space<vmem>>) semaphore(%arg19 : memref<!tpu.dma_semaphore, #tpu.memory_space<semaphore_mem>>) {add = true}
      %add3A_115 = arith.constant 2 : i32
      %add3A_116 = arith.addi %add3A_87, %add3A_115 : i32
      %lt3A_117 = arith.constant 160 : i32
      %lt3A_118 = arith.cmpi slt, %add3A_116, %lt3A_117 : i32
      %convert_element_type3A_119 = arith.extui %lt3A_118 : i1 to i32
      %cond3A_120 = arith.constant 0 : i32
      %cond3A_121 = arith.cmpi ne, %convert_element_type3A_119, %cond3A_120 : i32
      scf.if %cond3A_121 {
        %add3A_122 = arith.constant 2 : i32
        %add3A_123 = arith.addi %add3A_87, %add3A_122 : i32
        %dma_start3A_124 = arith.constant 0 : i32
        %dma_start3A_125 = tpu.memref_slice %arg8[%add3A_123, %dma_start3A_124] : memref<160x128xi32, #tpu.memory_space<vmem>> -> memref<1x128xi32, #tpu.memory_space<vmem>>
        %dma_start3A_126 = tpu.memref_squeeze %dma_start3A_125 : memref<1x128xi32, #tpu.memory_space<vmem>> -> memref<128xi32, #tpu.memory_space<vmem>>
        %dma_start3A_127 = arith.constant 0 : i32
        %dma_start3A_128 = arith.constant 0 : i32
        %dma_start3A_129 = tpu.memref_slice %arg2[%arg0, %dma_start3A_127, %dma_start3A_128] : memref<2x10000x64xbf16, #tpu.memory_space<hbm>> -> memref<1x10000x64xbf16, #tpu.memory_space<hbm>>
        %dma_start3A_130 = tpu.memref_squeeze %dma_start3A_129 : memref<1x10000x64xbf16, #tpu.memory_space<hbm>> -> memref<10000x64xbf16, #tpu.memory_space<hbm>>
        %dma_start3A_131 = arith.constant 0 : i32
        %dma_start3A_132 = arith.constant 0 : i32
        %dma_start3A_133 = tpu.memref_slice %dma_start3A_130[%dma_start3A_131, %dma_start3A_132] : memref<10000x64xbf16, #tpu.memory_space<hbm>> -> memref<10000x64xbf16, #tpu.memory_space<hbm>>
        tpu.enqueue_indirect_dma source(%dma_start3A_133 : memref<10000x64xbf16, #tpu.memory_space<hbm>>) target(%arg11 : memref<128x64xbf16, #tpu.memory_space<vmem>>) offsets(%dma_start3A_126 : memref<128xi32, #tpu.memory_space<vmem>>) semaphore(%arg17 : memref<!tpu.dma_semaphore, #tpu.memory_space<semaphore_mem>>)
      } else {
      }
    }
    %scan3A_28 = arith.constant 80 : i32
    %dma_wait3A = arith.constant 158 : i32
    %dma_wait3A_29 = arith.constant 0 : i32
    %dma_wait3A_30 = tpu.memref_slice %arg9[%dma_wait3A, %dma_wait3A_29] : memref<160x128xi32, #tpu.memory_space<vmem>> -> memref<1x128xi32, #tpu.memory_space<vmem>>
    %dma_wait3A_31 = tpu.memref_squeeze %dma_wait3A_30 : memref<1x128xi32, #tpu.memory_space<vmem>> -> memref<128xi32, #tpu.memory_space<vmem>>
    %dma_wait3A_32 = arith.constant 0 : i32
    %dma_wait3A_33 = arith.constant 0 : i32
    %dma_wait3A_34 = tpu.memref_slice %arg15[%dma_wait3A_32, %dma_wait3A_33] : memref<10000x64xi16, #tpu.memory_space<vmem_shared>> -> memref<10000x64xi16, #tpu.memory_space<vmem_shared>>
    tpu.wait_indirect_dma semaphore(%arg18 : memref<!tpu.dma_semaphore, #tpu.memory_space<semaphore_mem>>) src(%arg12 : memref<128x64xi16, #tpu.memory_space<vmem>>) dst(%dma_wait3A_34 : memref<10000x64xi16, #tpu.memory_space<vmem_shared>>)
    %dma_wait3A_35 = arith.constant 159 : i32
    %dma_wait3A_36 = arith.constant 0 : i32
    %dma_wait3A_37 = tpu.memref_slice %arg9[%dma_wait3A_35, %dma_wait3A_36] : memref<160x128xi32, #tpu.memory_space<vmem>> -> memref<1x128xi32, #tpu.memory_space<vmem>>
    %dma_wait3A_38 = tpu.memref_squeeze %dma_wait3A_37 : memref<1x128xi32, #tpu.memory_space<vmem>> -> memref<128xi32, #tpu.memory_space<vmem>>
    %dma_wait3A_39 = arith.constant 0 : i32
    %dma_wait3A_40 = arith.constant 0 : i32
    %dma_wait3A_41 = tpu.memref_slice %arg15[%dma_wait3A_39, %dma_wait3A_40] : memref<10000x64xi16, #tpu.memory_space<vmem_shared>> -> memref<10000x64xi16, #tpu.memory_space<vmem_shared>>
    tpu.wait_indirect_dma semaphore(%arg19 : memref<!tpu.dma_semaphore, #tpu.memory_space<semaphore_mem>>) src(%arg13 : memref<128x64xi16, #tpu.memory_space<vmem>>) dst(%dma_wait3A_41 : memref<10000x64xi16, #tpu.memory_space<vmem_shared>>)
    %barrier3A_42 = arith.constant 0 : index
    tpu.barrier barrier_id(%barrier3A_42)
    %mul3A_43 = arith.constant 624 : i32
    %mul3A_44 = arith.muli %arg1, %mul3A_43 : i32
    "tpu.region"() ({
      %run_scoped3A = tpu.sem_alloc : memref<!tpu.dma_semaphore, #tpu.memory_space<semaphore_mem>>
      %dma_start3A_50 = arith.constant 0 : i32
      %dma_start3A_51 = tpu.memref_slice %arg7[%arg0, %mul3A_44, %dma_start3A_50] : memref<2x10000x64xi16, #tpu.memory_space<hbm>> -> memref<1x624x64xi16, #tpu.memory_space<hbm>>
      %dma_start3A_52 = tpu.memref_squeeze %dma_start3A_51 : memref<1x624x64xi16, #tpu.memory_space<hbm>> -> memref<624x64xi16, #tpu.memory_space<hbm>>
      %dma_start3A_53 = arith.constant 0 : i32
      %dma_start3A_54 = tpu.memref_slice %arg15[%mul3A_44, %dma_start3A_53] : memref<10000x64xi16, #tpu.memory_space<vmem_shared>> -> memref<624x64xi16, #tpu.memory_space<vmem_shared>>
      tpu.enqueue_dma source(%dma_start3A_54 : memref<624x64xi16, #tpu.memory_space<vmem_shared>>) target(%dma_start3A_52 : memref<624x64xi16, #tpu.memory_space<hbm>>) target_semaphore(%run_scoped3A : memref<!tpu.dma_semaphore, #tpu.memory_space<semaphore_mem>>)
      %dma_wait3A_55 = arith.constant 0 : i32
      %dma_wait3A_56 = tpu.memref_slice %arg7[%arg0, %mul3A_44, %dma_wait3A_55] : memref<2x10000x64xi16, #tpu.memory_space<hbm>> -> memref<1x624x64xi16, #tpu.memory_space<hbm>>
      %dma_wait3A_57 = tpu.memref_squeeze %dma_wait3A_56 : memref<1x624x64xi16, #tpu.memory_space<hbm>> -> memref<624x64xi16, #tpu.memory_space<hbm>>
      %dma_wait3A_58 = arith.constant 0 : i32
      %dma_wait3A_59 = tpu.memref_slice %arg15[%mul3A_44, %dma_wait3A_58] : memref<10000x64xi16, #tpu.memory_space<vmem_shared>> -> memref<624x64xi16, #tpu.memory_space<vmem_shared>>
      tpu.wait_dma2 semaphore(%run_scoped3A : memref<!tpu.dma_semaphore, #tpu.memory_space<semaphore_mem>>) src(%dma_wait3A_59 : memref<624x64xi16, #tpu.memory_space<vmem_shared>>) dst(%dma_wait3A_57 : memref<624x64xi16, #tpu.memory_space<hbm>>)
      tpu.yield
    }) : () -> ()
    %eq3A_45 = arith.constant 15 : i32
    %eq3A_46 = arith.cmpi eq, %arg1, %eq3A_45 : i32
    %convert_element_type3A_47 = arith.extui %eq3A_46 : i1 to i32
    %cond3A_48 = arith.constant 0 : i32
    %cond3A_49 = arith.cmpi ne, %convert_element_type3A_47, %cond3A_48 : i32
    scf.if %cond3A_49 {
      "tpu.region"() ({
        %run_scoped3A = tpu.sem_alloc : memref<!tpu.dma_semaphore, #tpu.memory_space<semaphore_mem>>
        %dma_start3A_50 = arith.constant 9984 : i32
        %dma_start3A_51 = arith.constant 0 : i32
        %dma_start3A_52 = tpu.memref_slice %arg7[%arg0, %dma_start3A_50, %dma_start3A_51] : memref<2x10000x64xi16, #tpu.memory_space<hbm>> -> memref<1x16x64xi16, #tpu.memory_space<hbm>>
        %dma_start3A_53 = tpu.memref_squeeze %dma_start3A_52 : memref<1x16x64xi16, #tpu.memory_space<hbm>> -> memref<16x64xi16, #tpu.memory_space<hbm>>
        %dma_start3A_54 = arith.constant 9984 : i32
        %dma_start3A_55 = arith.constant 0 : i32
        %dma_start3A_56 = tpu.memref_slice %arg15[%dma_start3A_54, %dma_start3A_55] : memref<10000x64xi16, #tpu.memory_space<vmem_shared>> -> memref<16x64xi16, #tpu.memory_space<vmem_shared>>
        tpu.enqueue_dma source(%dma_start3A_56 : memref<16x64xi16, #tpu.memory_space<vmem_shared>>) target(%dma_start3A_53 : memref<16x64xi16, #tpu.memory_space<hbm>>) target_semaphore(%run_scoped3A : memref<!tpu.dma_semaphore, #tpu.memory_space<semaphore_mem>>)
        %dma_wait3A_57 = arith.constant 9984 : i32
        %dma_wait3A_58 = arith.constant 0 : i32
        %dma_wait3A_59 = tpu.memref_slice %arg7[%arg0, %dma_wait3A_57, %dma_wait3A_58] : memref<2x10000x64xi16, #tpu.memory_space<hbm>> -> memref<1x16x64xi16, #tpu.memory_space<hbm>>
        %dma_wait3A_60 = tpu.memref_squeeze %dma_wait3A_59 : memref<1x16x64xi16, #tpu.memory_space<hbm>> -> memref<16x64xi16, #tpu.memory_space<hbm>>
        %dma_wait3A_61 = arith.constant 9984 : i32
        %dma_wait3A_62 = arith.constant 0 : i32
        %dma_wait3A_63 = tpu.memref_slice %arg15[%dma_wait3A_61, %dma_wait3A_62] : memref<10000x64xi16, #tpu.memory_space<vmem_shared>> -> memref<16x64xi16, #tpu.memory_space<vmem_shared>>
        tpu.wait_dma2 semaphore(%run_scoped3A : memref<!tpu.dma_semaphore, #tpu.memory_space<semaphore_mem>>) src(%dma_wait3A_63 : memref<16x64xi16, #tpu.memory_space<vmem_shared>>) dst(%dma_wait3A_60 : memref<16x64xi16, #tpu.memory_space<hbm>>)
        tpu.yield
      }) : () -> ()
    } else {
    }
    return
  }
}

module attributes {stable_mosaic.version = 14 : i64} {
  func.func @_mm_body(%arg0: i32, %arg1: memref<1000x128xf32, #tpu.memory_space<vmem>>, %arg2: memref<128x128xf32, #tpu.memory_space<vmem>>, %arg3: memref<2x1000x64xbf16, #tpu.memory_space<vmem>>) attributes {dimension_semantics = [#tpu.dimension_semantics<arbitrary>], iteration_bounds = array<i64: 10>, scalar_prefetch = 0 : i64, scratch_operands = 0 : i64, tpu.core_type = #tpu.core_type<tc>, window_params = [{transform_indices = @transform_0, window_bounds = array<i64: 1000, 128>}, {pipeline_mode = #tpu.pipeline_mode<synchronous>, transform_indices = @transform_1, window_bounds = array<i64: 128, 128>}, {transform_indices = @transform_2, window_bounds = array<i64: 2, 1000, 64>}]} {
    %get3A = arith.constant 0 : index
    %get3A_0 = arith.constant 0 : index
    %get3A_1 = vector.load %arg1[%get3A, %get3A_0] : memref<1000x128xf32, #tpu.memory_space<vmem>>, vector<1000x128xf32>
    %get3A_2 = arith.constant 0 : index
    %get3A_3 = arith.constant 0 : index
    %get3A_4 = vector.load %arg2[%get3A_2, %get3A_3] : memref<128x128xf32, #tpu.memory_space<vmem>>, vector<128x128xf32>
    %dot_general3A = arith.constant dense<0.000000e+00> : vector<1000x128xf32>
    %dot_general3A_5 = tpu.matmul %get3A_1, %get3A_4, %dot_general3A {dimension_numbers = #tpu.dot_dimension_numbers<[1], [0], [0], [1], [0, 0, 1, 1], [], []>, transpose_lhs_hint = false} : vector<1000x128xf32>, vector<128x128xf32>, vector<1000x128xf32> -> vector<1000x128xf32>
    %slice3A = vector.extract_strided_slice %dot_general3A_5 {offsets = [0, 0], sizes = [1000, 64], strides = [1, 1]} : vector<1000x128xf32> to vector<1000x64xf32>
    %convert_element_type3A = arith.truncf %slice3A : vector<1000x64xf32> to vector<1000x64xbf16>
    %swap3A = arith.constant 0 : index
    %swap3A_6 = arith.constant 0 : index
    %swap3A_7 = arith.constant 0 : index
    %swap3A_8 = vector.load %arg3[%swap3A, %swap3A_6, %swap3A_7] : memref<2x1000x64xbf16, #tpu.memory_space<vmem>>, vector<1x1000x64xbf16>
    %swap3A_9 = vector.shape_cast %swap3A_8 : vector<1x1000x64xbf16> to vector<1000x64xbf16>
    %swap3A_10 = vector.shape_cast %convert_element_type3A : vector<1000x64xbf16> to vector<1x1000x64xbf16>
    tpu.vector_store %arg3[%swap3A, %swap3A_6, %swap3A_7], %swap3A_10 {strides = array<i32>} : memref<2x1000x64xbf16, #tpu.memory_space<vmem>>, vector<1x1000x64xbf16>,
    %slice3A_11 = vector.extract_strided_slice %dot_general3A_5 {offsets = [0, 64], sizes = [1000, 64], strides = [1, 1]} : vector<1000x128xf32> to vector<1000x64xf32>
    %convert_element_type3A_12 = arith.truncf %slice3A_11 : vector<1000x64xf32> to vector<1000x64xbf16>
    %swap3A_13 = arith.constant 1 : index
    %swap3A_14 = arith.constant 0 : index
    %swap3A_15 = arith.constant 0 : index
    %swap3A_16 = vector.load %arg3[%swap3A_13, %swap3A_14, %swap3A_15] : memref<2x1000x64xbf16, #tpu.memory_space<vmem>>, vector<1x1000x64xbf16>
    %swap3A_17 = vector.shape_cast %swap3A_16 : vector<1x1000x64xbf16> to vector<1000x64xbf16>
    %swap3A_18 = vector.shape_cast %convert_element_type3A_12 : vector<1000x64xbf16> to vector<1x1000x64xbf16>
    tpu.vector_store %arg3[%swap3A_13, %swap3A_14, %swap3A_15], %swap3A_18 {strides = array<i32>} : memref<2x1000x64xbf16, #tpu.memory_space<vmem>>, vector<1x1000x64xbf16>,
    return
  }
  func.func @transform_0(%arg0: i32) -> (i32, i32) {
    %c0_i32 = arith.constant 0 : i32
    %c0_i32_0 = arith.constant 0 : i32
    return %arg0, %c0_i32 : i32, i32
  }
  func.func @transform_1(%arg0: i32) -> (i32, i32) {
    %c0_i32 = arith.constant 0 : i32
    %c0_i32_0 = arith.constant 0 : i32
    %c0_i32_1 = arith.constant 0 : i32
    return %c0_i32, %c0_i32_0 : i32, i32
  }
  func.func @transform_2(%arg0: i32) -> (i32, i32, i32) {
    %c0_i32 = arith.constant 0 : i32
    %c0_i32_0 = arith.constant 0 : i32
    %c0_i32_1 = arith.constant 0 : i32
    return %c0_i32, %arg0, %c0_i32_0 : i32, i32, i32
  }
}

module attributes {stable_mosaic.version = 14 : i64} {
  func.func @_fin_body(%arg0: i32, %arg1: memref<2x1000x64xi16, #tpu.memory_space<vmem>>, %arg2: memref<128xf32, #tpu.memory_space<vmem>>, %arg3: memref<1000x128xf32, #tpu.memory_space<vmem>>) attributes {dimension_semantics = [#tpu.dimension_semantics<arbitrary>], iteration_bounds = array<i64: 10>, scalar_prefetch = 0 : i64, scratch_operands = 0 : i64, tpu.core_type = #tpu.core_type<tc>, window_params = [{transform_indices = @transform_0, window_bounds = array<i64: 2, 1000, 64>}, {pipeline_mode = #tpu.pipeline_mode<synchronous>, transform_indices = @transform_1, window_bounds = array<i64: 128>}, {transform_indices = @transform_2, window_bounds = array<i64: 1000, 128>}]} {
    %get3A = arith.constant 0 : index
    %get3A_0 = arith.constant 0 : index
    %get3A_1 = arith.constant 0 : index
    %get3A_2 = vector.load %arg1[%get3A, %get3A_0, %get3A_1] : memref<2x1000x64xi16, #tpu.memory_space<vmem>>, vector<1x1000x64xi16>
    %get3A_3 = vector.shape_cast %get3A_2 : vector<1x1000x64xi16> to vector<1000x64xi16>
    %get3A_4 = arith.constant 1 : index
    %get3A_5 = arith.constant 0 : index
    %get3A_6 = arith.constant 0 : index
    %get3A_7 = vector.load %arg1[%get3A_4, %get3A_5, %get3A_6] : memref<2x1000x64xi16, #tpu.memory_space<vmem>>, vector<1x1000x64xi16>
    %get3A_8 = vector.shape_cast %get3A_7 : vector<1x1000x64xi16> to vector<1000x64xi16>
    %concatenate3A = tpu.concatenate %get3A_3, %get3A_8 in 1 : vector<1000x64xi16>, vector<1000x64xi16> -> vector<1000x128xi16>
    %convert_element_type3A = arith.sitofp %concatenate3A : vector<1000x128xi16> to vector<1000x128xf32>
    %mul3A = arith.constant 3.906250e-03 : f32
    %mul3A_9 = vector.broadcast %mul3A : f32 to vector<1000x128xf32>
    %mul3A_10 = arith.mulf %convert_element_type3A, %mul3A_9 : vector<1000x128xf32>
    %get3A_11 = arith.constant 0 : index
    %get3A_12 = vector.load %arg2[%get3A_11] : memref<128xf32, #tpu.memory_space<vmem>>, vector<128xf32>
    %broadcast_in_dim3A = vector.shape_cast %get3A_12 : vector<128xf32> to vector<1x128xf32>
    %add3A = vector.broadcast %broadcast_in_dim3A : vector<1x128xf32> to vector<1000x128xf32>
    %add3A_13 = arith.addf %mul3A_10, %add3A : vector<1000x128xf32>
    %max3A = arith.constant 0.000000e+00 : f32
    %max3A_14 = vector.broadcast %max3A : f32 to vector<1000x128xf32>
    %max3A_15 = arith.maximumf %add3A_13, %max3A_14 : vector<1000x128xf32>
    %swap3A = arith.constant 0 : index
    %swap3A_16 = arith.constant 0 : index
    %swap3A_17 = vector.load %arg3[%swap3A, %swap3A_16] : memref<1000x128xf32, #tpu.memory_space<vmem>>, vector<1000x128xf32>
    tpu.vector_store %arg3[%swap3A, %swap3A_16], %max3A_15 {strides = array<i32>} : memref<1000x128xf32, #tpu.memory_space<vmem>>, vector<1000x128xf32>,
    return
  }
  func.func @transform_0(%arg0: i32) -> (i32, i32, i32) {
    %c0_i32 = arith.constant 0 : i32
    %c0_i32_0 = arith.constant 0 : i32
    %c0_i32_1 = arith.constant 0 : i32
    return %c0_i32, %arg0, %c0_i32_0 : i32, i32, i32
  }
  func.func @transform_1(%arg0: i32) -> i32 {
    %c0_i32 = arith.constant 0 : i32
    %c0_i32_0 = arith.constant 0 : i32
    return %c0_i32 : i32
  }
  func.func @transform_2(%arg0: i32) -> (i32, i32) {
    %c0_i32 = arith.constant 0 : i32
    %c0_i32_0 = arith.constant 0 : i32
    return %arg0, %c0_i32 : i32, i32
  }
}

</mosaic_0001>

<sc_bundles>
// kernel: kernel.5.cloned.1.call-start
scs
__scs_entry_jumppad:
0x0: {  	(pc) =	sbr.rel $0x88, $3  }
0x1: {  	(tag) =	ssettag $0x0;
	lr =	simm.s32 $0x1  }
0x2: {  	[smem:$0x3F9C] =	sst lr;
	_ =	strace $0xD0000000  }
0x3: {  	_ = 	snop  }
0x4: {  	_ = 	snop  }
0x5: {  	_ = 	snop  }
0x6: {  	_ = 	snop  }
0x7: {  	_ = 	snop  }
__scs_overlays_trampoline_lowered:
0x8: {  	[smem:$0x3FAB] =	sst s0  }
0x9: {  	[smem:$0x3FAC] =	sst s1  }
0xa: {  	[smem:$0x3FAD] =	sst s2  }
0xb: {  	[smem:$0x3FAE] =	sst s3  }
0xc: {  	[smem:$0x3FAF] =	sst s4  }
0xd: {  	[smem:$0x3FB0] =	sst s5  }
0xe: {  	[smem:$0x3FB1] =	sst s6  }
0xf: {  	[smem:$0x3FB2] =	sst s7  }
0x10: {  	[smem:$0x3FB3] =	sst s8  }
0x11: {  	[smem:$0x3FB4] =	sst s9;
	s0 =	simm.s32 @!p0 $0x0  }
0x12: {  	s1 =	sld [smem:$0x3F9A];
	s0 =	simm.s32 @p0 $0x1  }
0x13: {  	[smem:$0x3FB5] =	sst s0;
	s0 =	simm.s32 @!p1 $0x0  }
0x14: {  	s2 =	sld [smem:$0x3F99];
	s0 =	simm.s32 @p1 $0x1  }
0x15: {  	[smem:$0x3FB6] =	sst s0;
	s0 =	simm.s32 @!p2 $0x0  }
0x16: {  	s3 =	sld [smem:$0x3FDB];
	s0 =	simm.s32 @p2 $0x1  }
0x17: {  	s4 =	simm.s32 $0x1BF5;
	[smem:$0x3FB8] =	sst s0  }
0x18: {  	s0 =	sld [smem:$0x3F9B];
	_ =	swait.ge [sflag:s4], $0x0  }
0x19: {  	s7 =	sld [smem:$0x3F9C]  }
0x1a: {  	s8 =	sadd.s32 $0xFFFFE003, lr  }
0x1b: {  	s9 =	sadd.s32 $0xFFFFFEF7, lr;
	s5 =	simm.s32 $0xFFFFFFFF;
	p2 =	slt.u32 s8, $0xFFFFF086  }
0x1c: {  	p1 =	slt.u32 s9, $0xF7A;
	s5 =	simm.s32 @!p2 $0x0  }
0x1d: {  	s5 =	simm.s32 @p1 $0x1;
	p0 =	seq.s32 s7, s2  }
0x1e: {  	s7 =	smul.u32 @!p0 $0xF7A, s2;
	p2 =	seq.s32 @!p0 s5, $0x0  }
0x1f: {  	s9 =	smul.u32 $0xF7A, s1;
	s8 =	simm.s32 @!p0 $0x1BF5;
	p2 =	por !p2, p0  }
0x20: {  	[sflag:s8] =	ssyncset.s32 @!p0 $0xFFFFF086;
	s6 =	sadd.s32 @!p0 s3, s7;
	s7 =	simm.s32 @!p0 $0x108  }
0x21: {  	s3 =	sadd.s32 s3, s9;
	s6 =	sadd.s32 @!p0 $0x88, s6;
	s7 =	simm.s32 @p2 $0x1082  }
0x22: {  	[simem:s7], [sflag:s8] =	dma.local @!p0 [hbm:s6], $0xF7A  }
0x23: {  	s9 =	sor.u32 $0xD0000000, s2;
	s6 =	simm.s32 $0x108;
	_ =	swait.ge @!p0 [sflag:s8], $0x0  }
0x24: {  	s3 =	sadd.s32 $0x88, s3;
	s6 =	simm.s32 @!p1 $0x1082;
	[sflag:s4] =	ssyncset.s32 $0xFFFFF086  }
0x25: {  	[simem:s6], [sflag:s4] =	dma.local [hbm:s3], $0xF7A  }
0x26: {  	[smem:$0x3F9C] =	sst s1;
	(tag) =	ssettag s2;
	_ =	strace s9  }
0x27: {  	s1 =	sld [smem:$0x3FAC]  }
0x28: {  	s2 =	sld [smem:$0x3FAD]  }
0x29: {  	s4 =	sld [smem:$0x3FAF]  }
0x2a: {  	p0 =	seq.s32 s5, $0x0;
	s5 =	sld [smem:$0x3FB0]  }
0x2b: {  	s6 =	sld [smem:$0x3FB1]  }
0x2c: {  	s7 =	sld [smem:$0x3FB2]  }
0x2d: {  	s3 =	simm.s32 $0x108;
	s8 =	sld [smem:$0x3FB3]  }
0x2e: {  	s3 =	simm.s32 @!p0 $0x1082;
	s9 =	sld [smem:$0x3FB4]  }
0x2f: {  	lr =	sadd.s32 s0, s3;
	s0 =	sld [smem:$0x3FAB]  }
0x30: {  	s3 =	sld [smem:$0x3FAE]  }
0x31: {  	[smem:$0x3FB7] =	sst s10  }
0x32: {  	s10 =	sld [smem:$0x3FB5];
	_ =	sdelay $0x3  }
0x33: {  	p0 =	seq.s32 s10, $0x1;
	s10 =	sld [smem:$0x3FB7];
	_ =	sdelay $0x3  }
0x34: {  	[smem:$0x3FB7] =	sst s10  }
0x35: {  	s10 =	sld [smem:$0x3FB6];
	_ =	sdelay $0x3  }
0x36: {  	p1 =	seq.s32 s10, $0x1;
	s10 =	sld [smem:$0x3FB7];
	_ =	sdelay $0x3  }
0x37: {  	[smem:$0x3FB7] =	sst s10  }
0x38: {  	s10 =	sld [smem:$0x3FB8]  }
0x39: {  	_ = 	snop;
	(pc) =	sbr.ind lr, $3  }
0x3a: {  	_ = 	snop  }
0x3b: {  	_ = 	snop  }
0x3c: {  	p2 =	seq.s32 s10, $0x1;
	s10 =	sld [smem:$0x3FB7]  }
0x3d: {  	_ =	shalt  }
0x3e: {  	_ =	shalt  }
0x3f: {  	_ =	shalt  }
0x40: {  	_ =	shalt  }
0x41: {  	_ =	shalt  }
0x42: {  	_ =	shalt  }
0x43: {  	_ =	shalt  }
0x44: {  	_ =	shalt  }
0x45: {  	_ =	shalt  }
0x46: {  	_ =	shalt  }
0x47: {  	_ =	shalt  }
0x48: {  	_ =	shalt  }
0x49: {  	_ =	shalt  }
0x4a: {  	_ =	shalt  }
0x4b: {  	_ =	shalt  }
0x4c: {  	_ =	shalt  }
0x4d: {  	_ =	shalt  }
0x4e: {  	_ =	shalt  }
0x4f: {  	_ =	shalt  }
0x50: {  	_ =	shalt  }
0x51: {  	_ =	shalt  }
0x52: {  	_ =	shalt  }
0x53: {  	_ =	shalt  }
0x54: {  	_ =	shalt  }
0x55: {  	_ =	shalt  }
0x56: {  	_ =	shalt  }
0x57: {  	_ =	shalt  }
0x58: {  	_ =	shalt  }
0x59: {  	_ =	shalt  }
0x5a: {  	_ =	shalt  }
0x5b: {  	_ =	shalt  }
0x5c: {  	_ =	shalt  }
0x5d: {  	_ =	shalt  }
0x5e: {  	_ =	shalt  }
0x5f: {  	_ =	shalt  }
0x60: {  	_ =	shalt  }
0x61: {  	_ =	shalt  }
0x62: {  	_ =	shalt  }
0x63: {  	_ =	shalt  }
0x64: {  	_ =	shalt  }
0x65: {  	_ =	shalt  }
0x66: {  	_ =	shalt  }
0x67: {  	_ =	shalt  }
0x68: {  	_ =	shalt  }
0x69: {  	_ =	shalt  }
0x6a: {  	_ =	shalt  }
0x6b: {  	_ =	shalt  }
0x6c: {  	_ =	shalt  }
0x6d: {  	_ =	shalt  }
0x6e: {  	_ =	shalt  }
0x6f: {  	_ =	shalt  }
0x70: {  	_ =	shalt  }
0x71: {  	_ =	shalt  }
0x72: {  	_ =	shalt  }
0x73: {  	_ =	shalt  }
0x74: {  	_ =	shalt  }
0x75: {  	_ =	shalt  }
0x76: {  	_ =	shalt  }
0x77: {  	_ =	shalt  }
0x78: {  	_ =	shalt  }
0x79: {  	_ =	shalt  }
0x7a: {  	_ =	shalt  }
0x7b: {  	_ =	shalt  }
0x7c: {  	_ =	shalt  }
0x7d: {  	_ =	shalt  }
0x7e: {  	_ =	shalt  }
0x7f: {  	_ =	shalt  }
0x80: {  	_ =	shalt  }
0x81: {  	_ =	shalt  }
0x82: {  	_ =	shalt  }
0x83: {  	_ =	shalt  }
0x84: {  	_ =	shalt  }
0x85: {  	_ =	shalt  }
0x86: {  	_ =	shalt  }
0x87: {  	_ =	shalt  }
.Lfunc_end0:
.L_simem_size_0:
called_computation_lowered:
.L_overlay_start_0:
0x88: {  	s2 =	sld [smem:$0x3FD9]  }
0x89: {  	s3 =	sld [smem:$0x3FFE];
	_ =	sdelay $0x1  }
0x8a: {  	s1 =	srdreg.scid  }
0x8b: {  	s0 =	sand.u32 $0x1, s1  }
0x8c: {  	s17 =	sshll.u32 s0, $0xA;
	s2 =	sadd.s32 s3, s2  }
0x8d: {  	s2 =	sadd.s32 s2, s17  }
0x8e: {  	[smem:$0x3FC3] =	sst s2  }
0x8f: {  	_ = 	snop  }
0x90: {  	s2 =	sld [smem:$0x3FD0];
	(tm) =	ssettm $0x1  }
0x91: {  	s18 =	sld [smem:$0x3FFB];
	_ =	sdelay $0x3  }
0x92: {  	_ =	strace s18  }
0x93: {  	s3 =	sld [smem:$0x3FFC];
	_ =	sdelay $0x3  }
0x94: {  	_ =	strace s3  }
0x95: {  	s3 =	sld [smem:$0x3FFD];
	_ =	sdelay $0x3  }
0x96: {  	_ =	strace s3  }
0x97: {  	_ =	strace $0x8FFFFFFF  }
0x98: {  	s19 =	sld [smem:$0x3FDB];
	_ =	sdelay $0x1  }
0x99: {  	s4 =	simm.s32 $_scs_section_size  }
0x9a: {  	s5 =	simm.s32 $_size__tile_overlayer_lowered;
	s6 =	simm.s32 $_tile_overlayer_lowered  }
0x9b: {  	s22 =	simm.s32 $0x1BFF;
	s21 =	sshll.u32 s6, $0x1;
	s3 =	sadd.s32 s4, s19  }
0x9c: {  	s7 =	simm.s32 $0x0;
	s20 =	sshll.u32 s5, $0x1;
	s5 =	sadd.s32 s21, s3  }
0x9d: {  	[timem:s7], [sflag:s22] =	dma.local [hbm:s5], s20  }
0x9e: {  	_ =	swait.ge [sflag:s22], s20  }
0x9f: {  	s4 =	ssub.s32 $0x0, s20;
	[sflag:s22] =	ssyncset.done $0x0  }
0xa0: {  	[sflag:s22] =	ssyncadd.s32 s4;
	_ =	sdelay $0x1  }
0xa1: {  	s23 =	simm.s32 $0x1B8B  }
0xa2: {  	_ =	swait.ge [sflag:s23], $0x1  }
0xa3: {  	[sflag:s23] =	ssyncset.done $0x0  }
0xa4: {  	s25 =	simm.s32 $0x1B8E;
	s24 =	sld [smem:$0x3FFE];
	[sflag:s23] =	ssyncadd.s32 $0xFFFFFFFF  }
0xa5: {  	s26 =	simm.s32 $execute0_lowered;
	[smem:$0x3FD2] =	sst s25  }
0xa6: {  	s5 =	sshll.u32 s26, $0x1;
	_ =	strace $0x80000046;
	[dreg:$0x1] =	wrdreg $0xFFFFFFFF  }
0xa7: {  	s28 =	simm.s32 $_size_execute0_lowered;
	s3 =	sadd.s32 s3, s5;
	[dreg:$0x0] =	wrdreg $0x0  }
0xa8: {  	s5 =	sshll.u32 s28, $0x1;
	[dreg:$0x2] =	wrdreg s3  }
0xa9: {  	[dreg:$0x3] =	wrdreg s5  }
0xaa: {  	[dreg:$0x4] =	wrdreg $0xC0  }
0xab: {  	_ =	task [dreg:s7], $0x5FFFF  }
0xac: {  	[dreg:$0x1] =	wrdreg $0xFFFFFFFF  }
0xad: {  	[dreg:$0x0] =	wrdreg $0x60  }
0xae: {  	[dreg:$0x2] =	wrdreg s2  }
0xaf: {  	[dreg:$0x3] =	wrdreg s24  }
0xb0: {  	[dreg:$0x4] =	wrdreg $0x130000  }
0xb1: {  	[dreg:$0x5] =	wrdreg $0x9  }
0xb2: {  	_ =	task.clear_ibuf [dreg:s7], $0x6FFFF;
	_ =	strace $0x90000046  }
0xb3: {  	s29 =	simm.s32 $0x9;
	_ =	strace $0x80000048  }
0xb4: {  	_ =	swait.ge [sflag:s29], $0x1  }
0xb5: {  	[sflag:s29] =	ssyncadd.s32 $0xFFFFFFFF  }
0xb6: {  	_ =	strace $0x90000048  }
0xb7: {  	_ =	sfence  }
0xb8: {  	s30 =	sld [smem:$0x0];
	_ =	sdelay $0x2  }
0xb9: {  	s31 =	sshll.u32 s1, $0xD;
	s1 =	sshrl.u32 s1, $0x2  }
0xba: {  	s3 =	sand.u32 $0x4000, s31;
	s1 =	sadd.s32 s1, s30  }
0xbb: {  	s0 =	sor.u32 s3, s0;
	s1 =	sshll.u32 s1, $0x11  }
0xbc: {  	s0 =	sor.u32 s1, s0  }
0xbd: {  	s0 =	sadd.s32 $0x8F2B, s0  }
0xbe: {  	[sflag:s0] =	ssyncadd.remote.s32 $0x1  }
0xbf: {  	_ =	sfence.sel $0xFFFF  }
0xc0: {  	[dreg:$0x0] =	wrdreg $0xFFFFFFFF;
	(pc) =	sbr.abs _section_cstart, $3  }
0xc1: {  	[dreg:$0x1] =	wrdreg $0xFFFFFFFF  }
0xc2: {  	_ =	task.clear_ibuf [dreg:s7], $0x2FFFF;
	_ =	strace $0x9FFFFFFF  }
0xc3: {  	(tm) =	ssettm $0x7FFFFFFF  }
tec
execute0_lowered:
.L_overlay_start_1:
0x0: {  	(tag) =	ssettag $0x1  }
0x1: {  	s0 =	rddreg [dreg:$0x0]  }
0x2: {  	s1 =	rddreg [dreg:$0x1]  }
0x3: {  	s2 =	rddreg [dreg:$0x2]  }
0x4: {  	s3 =	simm.s32 $0x0;
	s15 =	stileid.u32;
	s4 =	srdreg.scid  }
0x5: {  	s18 =	simm.s32 $0x80;
	s20 =	simm.s32 $0xB000;
	s21 =	simm.s32 $0x1  }
0x6: {  	s22 =	simm.s32 $0xC000;
	s23 =	simm.s32 $0x2;
	s24 =	simm.s32 $0xD000  }
0x7: {  	s25 =	simm.s32 $0x3;
	s28 =	simm.s32 $0x0;
	s5 =	smul.u32 $0xA00, s15  }
0x8: {  	[smem:$0x7FF] =	sst s3;
	s6 =	sand.u32 $0x1, s4;
	s9 =	smul.u32 $0x9C00, s15  }
0x9: {  	s4 =	sadd.s32 $0x1E600, s1;
	s14 =	sadd.s32 $0x4E000, s2;
	p0 =	sne.s32 s15, $0xF  }
0xa: {  	s31 =	sshll.u32 s15, $0x6;
	_ =	strace $0x80000047;
	s7 =	ssub.s32 $0x2, s6  }
0xb: {  	s12 =	smul.u32 $0x9C400, s6;
	s15 =	sor.u32 $0x1C05, s31;
	s17 =	sshrl.u32 @!p0 s14, $0x3  }
0xc: {  	s8 =	sadd.s32 s5, s1;
	s26 =	sshrl.u32 s7, $0x1;
	s1 =	sadd.s32 $0x1F000, s1  }
0xd: {  	v0 =	vimm.s32 $0x0;
	s10 =	sshrl.u32 s9, $0x1;
	s11 =	ssub.s32 s7, s26;
	s5 =	sadd.s32 $0x600, s8  }
.Ltmp0:
0xe: {  	v1 =	vimm.s32 $0x1;
	v2 =	vimm.s32 $0x2;
	v3 =	vimm.s32 $0x3;
	s6 =	sadd.s32 $0xA600, s8;
	s7 =	sadd.s32 $0x14600, s8;
	(pc) =	sbr.rel .LBB2_1-.Ltmp0, $4  }
0xf: {  	v4 =	vimm.s32 $0x4;
	v5 =	vimm.s32 $0x5;
	v6 =	vimm.s32 $0x6;
	s13 =	sadd.s32 s10, s2;
	s29 =	sshrl.u32 s12, $0x4;
	s9 =	sadd.s32 s9, s12  }
0x10: {  	v7 =	vimm.s32 $0x7;
	v8 =	vimm.s32 $0x8;
	v9 =	vimm.s32 $0x9;
	s12 =	simm.s32 $0x5;
	s26 =	simm.s32 $0x4;
	s8 =	sadd.s32 s0, s29  }
0x11: {  	v10 =	vimm.s32 $0xA;
	v11 =	vimm.s32 $0xB;
	v12 =	vimm.s32 $0xC;
	s30 =	sshrl.u32 s9, $0x4;
	s10 =	sadd.s32 s1, s29;
	s11 =	smax.u32 s11, $0x1  }
0x12: {  	v13 =	vimm.s32 $0xD;
	v14 =	vimm.s32 $0xE;
	v15 =	vimm.s32 $0xF;
	s16 =	sshrl.u32 s13, $0x3;
	s9 =	sadd.s32 s1, s30;
	s10 =	sadd.s32 $0x9C00, s10  }
.LBB2_8:
0x13: {  	_ =	swait.ge [sflag:s25], $0x1000  }
0x14: {  	[sflag:s25] =	ssyncset.done $0x0  }
0x15: {  	[sflag:s25] =	ssyncadd.s32 $0xFFFFF000  }
0x16: {  	_ =	swait.ge [sflag:s26], $0x1000  }
0x17: {  	[sflag:s26] =	ssyncset.done $0x0  }
0x18: {  	[sflag:s26] =	ssyncadd.s32 $0xFFFFF000  }
0x19: {  	[bflag:$0x0] =	sbarrier.arrive $0xFFFF  }
0x1a: {  	[hbm:s9], [sflag:s15] =	dma.local [spmem:s16], $0x9C0  }
0x1b: {  	s28 =	sadd.s32 $0x1, s28;
	_ =	swait.ge [sflag:s12], $0x9C0  }
0x1c: {  	p1 =	sne.s32 s28, s11;
	[sflag:s12] =	ssyncset.done $0x0  }
.Ltmp1:
0x1d: {  	s0 =	simm.s32 @!p0 $0x5;
	[sflag:s12] =	ssyncadd.s32 $0xFFFFF640;
	(pc) =	sbr.rel @!p1 .LBB2_9-.Ltmp1, $4  }
0x1e: {  	[hbm:s10], [sflag:s15] =	dma.local @!p0 [spmem:s17], $0x40  }
0x1f: {  	_ =	swait.ge @!p0 [sflag:s0], $0x40  }
0x20: {  	[sflag:s0] =	ssyncset.done @!p0 $0x0  }
0x21: {  	[sflag:s0] =	ssyncadd.s32 @!p0 $0xFFFFFFC0  }
.LBB2_1:
0x22: {  	[tilespmem:s3], [sflag:$0x5] =	stream.linear.gather [hbm4b:s5+s3], $0x5000, $0x38;
	[tilespmem:$0x17E20] =	vst v63  }
0x23: {  	_ =	swait.ge [sflag:s12], $0x5000  }
0x24: {  	[sflag:s12] =	ssyncset.done $0x0  }
0x25: {  	s0 =	simm.s32 $0x5000;
	[sflag:s12] =	ssyncadd.s32 $0xFFFFB000  }
0x26: {  	[tilespmem:s0], [sflag:$0x5] =	stream.linear.gather [hbm4b:s6+s3], $0x5000, $0x38;
	[tilespmem:$0x17E20] =	vst v63  }
0x27: {  	_ =	swait.ge [sflag:s12], $0x5000  }
0x28: {  	[sflag:s12] =	ssyncset.done $0x0  }
0x29: {  	s19 =	simm.s32 $0xE000;
	[sflag:s12] =	ssyncadd.s32 $0xFFFFB000  }
0x2a: {  	[tilespmem:s19], [sflag:$0x5] =	stream.linear.gather [hbm4b:s7+s3], $0x5000, $0x38;
	[tilespmem:$0x17E20] =	vst v63  }
0x2b: {  	_ =	swait.ge [sflag:s12], $0x5000  }
0x2c: {  	[sflag:s12] =	ssyncset.done $0x0  }
0x2d: {  	[sflag:s12] =	ssyncadd.s32 $0xFFFFB000  }
0x2e: {  	[spmem:s16], [sflag:s15] =	dma.local [hbm:s4], $0x9C0  }
0x2f: {  	_ =	swait.ge [sflag:s12], $0x9C0  }
0x30: {  	[sflag:s12] =	ssyncset.done $0x0  }
0x31: {  	s0 =	simm.s32 @!p0 $0x5;
	[sflag:s12] =	ssyncadd.s32 $0xFFFFF640  }
0x32: {  	[spmem:s17], [sflag:s15] =	dma.local @!p0 [hbm:s4], $0x40  }
0x33: {  	_ =	swait.ge @!p0 [sflag:s0], $0x40  }
0x34: {  	[sflag:s0] =	ssyncset.done @!p0 $0x0  }
0x35: {  	[sflag:s0] =	ssyncadd.s32 @!p0 $0xFFFFFFC0  }
0x36: {  	s29 =	simm.s32 $0xA000;
	[bflag:$0x0] =	sbarrier.arrive $0xFFFF  }
0x37: {  	[tilespmem:s29], [sflag:$0x1] =	stream.indirect.gather [hbm4b:s8+s18], $0x20, s3, s18, $0xb8;
	[tilespmem:$0x17E20] =	vst v63  }
0x38: {  	s30 =	simm.s32 $0xE000;
	s31 =	simm.s32 $0x0;
	s19 =	simm.s32 $0xE080  }
0x39: {  	[tilespmem:s20], [sflag:$0x2] =	stream.indirect.gather [hbm4b:s8+s18], $0x20, s18, s18, $0xb8;
	[tilespmem:$0x17E20] =	vst v63  }
.LBB2_2:
0x3a: {  	_ =	swait.ge [sflag:s21], $0x1000  }
0x3b: {  	p1 =	seq.s32 s31, $0x0;
	[sflag:s21] =	ssyncset.done $0x0  }
0x3c: {  	s0 =	simm.s32 @!p1 $0x3;
	[sflag:s21] =	ssyncadd.s32 $0xFFFFF000  }
0x3d: {  	_ =	swait.ge @!p1 [sflag:s0], $0x1000  }
0x3e: {  	[sflag:s0] =	ssyncset.done @!p1 $0x0  }
0x3f: {  	s1 =	sshll.u32 s31, $0xA;
	[sflag:s0] =	ssyncadd.s32 @!p1 $0xFFFFF000  }
0x40: {  	s13 =	simm.s32 $0x0;
	s14 =	smov.u32 s30;
	s0 =	simm.s32 $0x800;
	v16 =	vld [tilespmem:s30+$0x0]  }
.LBB2_3:
0x41: {  	p2 =	sne.s32 s0, $0x3800;
	v17 =	vld [tilespmem:s13+$0xA000]  }
0x42: {  	v18 =	vld [tilespmem:s13+$0xA010]  }
0x43: {  	v19 =	vld [tilespmem:s13+$0xA020]  }
0x44: {  	v20 =	vld [tilespmem:s13+$0xA030]  }
0x45: {  	v21 =	vperm.xlane v16, v0;
	v22 =	vperm.xlane v16, v1  }
0x46: {  	v23 =	vperm.xlane v16, v2;
	v24 =	vperm.xlane v16, v3  }
0x47: {  	v25 =	vperm.xlane v16, v4;
	v21 =	vpack.i.f32.bf16 v21, v21;
	v22 =	vpack.i.f32.bf16 v22, v22  }
0x48: {  	v17 =	vmul.bf16 v17, v21;
	v18 =	vmul.bf16 v18, v21;
	v21 =	vpack.i.f32.bf16 v23, v23  }
0x49: {  	v19 =	vmul.bf16 v19, v22;
	v20 =	vmul.bf16 v20, v22;
	v22 =	vpack.i.f32.bf16 v24, v24  }
0x4a: {  	v23 =	vpack.i.f32.bf16 v25, v25;
	v17 =	vtrunc.bf16 v17;
	v18 =	vtrunc.bf16 v18  }
0x4b: {  	v24 =	vunpack.c.u.bf16.f32 v17;
	v17 =	vunpack.c.l.bf16.f32 v17;
	v25 =	vunpack.c.u.bf16.f32 v18  }
0x4c: {  	v19 =	vtrunc.bf16 v19;
	v18 =	vunpack.c.l.bf16.f32 v18;
	v20 =	vtrunc.bf16 v20  }
0x4d: {  	v26 =	vunpack.c.u.bf16.f32 v19;
	v17 =	vtrunc.f32 v17;
	v24 =	vtrunc.f32 v24  }
0x4e: {  	v19 =	vunpack.c.l.bf16.f32 v19;
	v17 =	vcvt.f32.s32 v17;
	v24 =	vcvt.f32.s32 v24;
	v27 =	vld [tilespmem:s13+$0xA040]  }
0x4f: {  	v28 =	vunpack.c.u.bf16.f32 v20;
	v18 =	vtrunc.f32 v18;
	v25 =	vtrunc.f32 v25;
	v29 =	vld [tilespmem:s13+$0xA050]  }
0x50: {  	v18 =	vcvt.f32.s32 v18;
	v17 =	vpack.c.b32.b16 v24, v17;
	v24 =	vcvt.f32.s32 v25;
	v25 =	vld [tilespmem:s13+$0xA060]  }
0x51: {  	v20 =	vunpack.c.l.bf16.f32 v20;
	v19 =	vtrunc.f32 v19;
	v26 =	vtrunc.f32 v26;
	v30 =	vld [tilespmem:s13+$0xA070]  }
0x52: {  	[tilespmem:s13+$0xC000] =	vst v17;
	v17 =	vpack.c.b32.b16 v24, v18;
	v18 =	vcvt.f32.s32 v19;
	v19 =	vcvt.f32.s32 v26  }
0x53: {  	v20 =	vtrunc.f32 v20;
	v24 =	vtrunc.f32 v28  }
0x54: {  	[tilespmem:s13+$0xC010] =	vst v17;
	v17 =	vpack.c.b32.b16 v19, v18;
	v18 =	vcvt.f32.s32 v20;
	v19 =	vcvt.f32.s32 v24  }
0x55: {  	v20 =	vmul.bf16 v27, v21;
	v21 =	vmul.bf16 v29, v21  }
0x56: {  	[tilespmem:s13+$0xC020] =	vst v17;
	v17 =	vpack.c.b32.b16 v19, v18;
	v18 =	vmul.bf16 v25, v22;
	v19 =	vmul.bf16 v30, v22  }
0x57: {  	v20 =	vtrunc.bf16 v20;
	v21 =	vtrunc.bf16 v21  }
0x58: {  	v22 =	vunpack.c.u.bf16.f32 v21;
	[tilespmem:s13+$0xC030] =	vst v17;
	v17 =	vunpack.c.u.bf16.f32 v20;
	v20 =	vunpack.c.l.bf16.f32 v20  }
0x59: {  	v21 =	vunpack.c.l.bf16.f32 v21;
	v18 =	vtrunc.bf16 v18;
	v19 =	vtrunc.bf16 v19  }
0x5a: {  	v24 =	vunpack.c.u.bf16.f32 v18;
	v20 =	vtrunc.f32 v20;
	v17 =	vtrunc.f32 v17  }
0x5b: {  	v18 =	vunpack.c.l.bf16.f32 v18;
	v20 =	vcvt.f32.s32 v20;
	v17 =	vcvt.f32.s32 v17  }
0x5c: {  	v21 =	vtrunc.f32 v21;
	v22 =	vtrunc.f32 v22;
	v25 =	vunpack.c.u.bf16.f32 v19;
	v26 =	vld [tilespmem:s13+$0xA080]  }
0x5d: {  	v17 =	vpack.c.b32.b16 v17, v20;
	v20 =	vcvt.f32.s32 v21;
	v21 =	vcvt.f32.s32 v22;
	v22 =	vld [tilespmem:s13+$0xA090]  }
0x5e: {  	v19 =	vunpack.c.l.bf16.f32 v19;
	v18 =	vtrunc.f32 v18;
	v24 =	vtrunc.f32 v24  }
0x5f: {  	v18 =	vcvt.f32.s32 v18;
	[tilespmem:s13+$0xC040] =	vst v17;
	v17 =	vpack.c.b32.b16 v21, v20;
	v20 =	vcvt.f32.s32 v24  }
0x60: {  	v19 =	vtrunc.f32 v19;
	v21 =	vtrunc.f32 v25  }
0x61: {  	[tilespmem:s13+$0xC050] =	vst v17;
	v17 =	vpack.c.b32.b16 v20, v18;
	v18 =	vcvt.f32.s32 v19;
	v19 =	vcvt.f32.s32 v21  }
0x62: {  	v20 =	vmul.bf16 v26, v23;
	v21 =	vmul.bf16 v22, v23  }
0x63: {  	[tilespmem:s13+$0xC060] =	vst v17;
	v17 =	vpack.c.b32.b16 v19, v18;
	v18 =	vperm.xlane v16, v5;
	v19 =	vperm.xlane v16, v6  }
0x64: {  	v20 =	vtrunc.bf16 v20;
	v21 =	vtrunc.bf16 v21;
	v22 =	vld [tilespmem:s13+$0xA0A0]  }
0x65: {  	[tilespmem:s13+$0xC070] =	vst v17;
	v17 =	vunpack.c.u.bf16.f32 v20;
	v20 =	vunpack.c.l.bf16.f32 v20;
	v23 =	vunpack.c.u.bf16.f32 v21;
	v24 =	vld [tilespmem:s13+$0xA0B0]  }
0x66: {  	v21 =	vunpack.c.l.bf16.f32 v21;
	v18 =	vpack.i.f32.bf16 v18, v18;
	v19 =	vpack.i.f32.bf16 v19, v19;
	v25 =	vld [tilespmem:s13+$0xA0C0]  }
0x67: {  	v20 =	vtrunc.f32 v20;
	v17 =	vtrunc.f32 v17;
	v26 =	vld [tilespmem:s13+$0xA0D0]  }
0x68: {  	v20 =	vcvt.f32.s32 v20;
	v17 =	vcvt.f32.s32 v17  }
0x69: {  	v21 =	vtrunc.f32 v21;
	v23 =	vtrunc.f32 v23  }
0x6a: {  	v17 =	vpack.c.b32.b16 v17, v20;
	v20 =	vcvt.f32.s32 v21;
	v21 =	vcvt.f32.s32 v23  }
0x6b: {  	v22 =	vmul.bf16 v22, v18;
	v18 =	vmul.bf16 v24, v18  }
0x6c: {  	[tilespmem:s13+$0xC080] =	vst v17;
	v17 =	vpack.c.b32.b16 v21, v20;
	v20 =	vmul.bf16 v25, v19;
	v19 =	vmul.bf16 v26, v19  }
0x6d: {  	v21 =	vtrunc.bf16 v22;
	v18 =	vtrunc.bf16 v18  }
0x6e: {  	v22 =	vunpack.c.u.bf16.f32 v18;
	[tilespmem:s13+$0xC090] =	vst v17;
	v17 =	vunpack.c.u.bf16.f32 v21;
	v21 =	vunpack.c.l.bf16.f32 v21  }
0x6f: {  	v18 =	vunpack.c.l.bf16.f32 v18;
	v20 =	vtrunc.bf16 v20;
	v19 =	vtrunc.bf16 v19  }
0x70: {  	v23 =	vunpack.c.u.bf16.f32 v20;
	v21 =	vtrunc.f32 v21;
	v17 =	vtrunc.f32 v17  }
0x71: {  	v20 =	vunpack.c.l.bf16.f32 v20;
	v21 =	vcvt.f32.s32 v21;
	v17 =	vcvt.f32.s32 v17  }
0x72: {  	v18 =	vtrunc.f32 v18;
	v22 =	vtrunc.f32 v22;
	v24 =	vunpack.c.u.bf16.f32 v19  }
0x73: {  	v18 =	vcvt.f32.s32 v18;
	v17 =	vpack.c.b32.b16 v17, v21;
	v21 =	vcvt.f32.s32 v22  }
0x74: {  	v19 =	vunpack.c.l.bf16.f32 v19;
	v20 =	vtrunc.f32 v20;
	v22 =	vtrunc.f32 v23;
	v23 =	vld [tilespmem:s13+$0xA0E0]  }
0x75: {  	[tilespmem:s13+$0xC0A0] =	vst v17;
	v17 =	vpack.c.b32.b16 v21, v18;
	v18 =	vcvt.f32.s32 v20;
	v20 =	vcvt.f32.s32 v22;
	v21 =	vld [tilespmem:s13+$0xA0F0]  }
0x76: {  	v19 =	vtrunc.f32 v19;
	v22 =	vtrunc.f32 v24;
	v24 =	vld [tilespmem:s13+$0xA100]  }
0x77: {  	[tilespmem:s13+$0xC0B0] =	vst v17;
	v17 =	vpack.c.b32.b16 v20, v18;
	v18 =	vcvt.f32.s32 v19;
	v19 =	vcvt.f32.s32 v22;
	v20 =	vld [tilespmem:s13+$0xA110]  }
0x78: {  	v25 =	vperm.xlane v16, v8;
	v22 =	vperm.xlane v16, v7  }
0x79: {  	[tilespmem:s13+$0xC0C0] =	vst v17;
	v17 =	vpack.c.b32.b16 v19, v18;
	v18 =	vperm.xlane v16, v9;
	v19 =	vperm.xlane v16, v10  }
0x7a: {  	v26 =	vperm.xlane v16, v11;
	v25 =	vpack.i.f32.bf16 v25, v25;
	v22 =	vpack.i.f32.bf16 v22, v22  }
0x7b: {  	v21 =	vmul.bf16 v21, v22;
	[tilespmem:s13+$0xC0D0] =	vst v17;
	v17 =	vmul.bf16 v23, v22;
	v18 =	vpack.i.f32.bf16 v18, v18  }
0x7c: {  	v22 =	vmul.bf16 v24, v25;
	v19 =	vpack.i.f32.bf16 v19, v19;
	v20 =	vmul.bf16 v20, v25  }
0x7d: {  	v23 =	vpack.i.f32.bf16 v26, v26;
	v21 =	vtrunc.bf16 v21;
	v17 =	vtrunc.bf16 v17  }
0x7e: {  	v25 =	vunpack.c.u.bf16.f32 v21;
	v24 =	vunpack.c.u.bf16.f32 v17;
	v17 =	vunpack.c.l.bf16.f32 v17  }
0x7f: {  	v21 =	vunpack.c.l.bf16.f32 v21;
	v22 =	vtrunc.bf16 v22;
	v20 =	vtrunc.bf16 v20  }
0x80: {  	v26 =	vunpack.c.u.bf16.f32 v22;
	v17 =	vtrunc.f32 v17;
	v24 =	vtrunc.f32 v24  }
0x81: {  	v22 =	vunpack.c.l.bf16.f32 v22;
	v17 =	vcvt.f32.s32 v17;
	v24 =	vcvt.f32.s32 v24;
	v27 =	vld [tilespmem:s13+$0xA120]  }
0x82: {  	v21 =	vtrunc.f32 v21;
	v25 =	vtrunc.f32 v25;
	v28 =	vunpack.c.u.bf16.f32 v20;
	v29 =	vld [tilespmem:s13+$0xA130]  }
0x83: {  	v21 =	vcvt.f32.s32 v21;
	v17 =	vpack.c.b32.b16 v24, v17;
	v24 =	vcvt.f32.s32 v25;
	v25 =	vld [tilespmem:s13+$0xA140]  }
0x84: {  	v20 =	vunpack.c.l.bf16.f32 v20;
	v22 =	vtrunc.f32 v22;
	v26 =	vtrunc.f32 v26;
	v30 =	vld [tilespmem:s13+$0xA150]  }
0x85: {  	[tilespmem:s13+$0xC0E0] =	vst v17;
	v17 =	vpack.c.b32.b16 v24, v21;
	v21 =	vcvt.f32.s32 v22;
	v22 =	vcvt.f32.s32 v26  }
0x86: {  	v20 =	vtrunc.f32 v20;
	v24 =	vtrunc.f32 v28  }
0x87: {  	v20 =	vcvt.f32.s32 v20;
	[tilespmem:s13+$0xC0F0] =	vst v17;
	v17 =	vpack.c.b32.b16 v22, v21;
	v21 =	vcvt.f32.s32 v24  }
0x88: {  	v22 =	vmul.bf16 v27, v18;
	v18 =	vmul.bf16 v29, v18  }
0x89: {  	[tilespmem:s13+$0xC100] =	vst v17;
	v17 =	vpack.c.b32.b16 v21, v20;
	v20 =	vmul.bf16 v25, v19;
	v19 =	vmul.bf16 v30, v19  }
0x8a: {  	v21 =	vtrunc.bf16 v22;
	v18 =	vtrunc.bf16 v18  }
0x8b: {  	v22 =	vunpack.c.u.bf16.f32 v18;
	[tilespmem:s13+$0xC110] =	vst v17;
	v17 =	vunpack.c.u.bf16.f32 v21;
	v21 =	vunpack.c.l.bf16.f32 v21  }
0x8c: {  	v18 =	vunpack.c.l.bf16.f32 v18;
	v20 =	vtrunc.bf16 v20;
	v19 =	vtrunc.bf16 v19  }
0x8d: {  	v24 =	vunpack.c.u.bf16.f32 v20;
	v21 =	vtrunc.f32 v21;
	v17 =	vtrunc.f32 v17  }
0x8e: {  	v20 =	vunpack.c.l.bf16.f32 v20;
	v21 =	vcvt.f32.s32 v21;
	v17 =	vcvt.f32.s32 v17  }
0x8f: {  	v18 =	vtrunc.f32 v18;
	v22 =	vtrunc.f32 v22;
	v25 =	vunpack.c.u.bf16.f32 v19;
	v26 =	vld [tilespmem:s13+$0xA160]  }
0x90: {  	v18 =	vcvt.f32.s32 v18;
	v17 =	vpack.c.b32.b16 v17, v21;
	v21 =	vcvt.f32.s32 v22;
	v22 =	vld [tilespmem:s13+$0xA170]  }
0x91: {  	v19 =	vunpack.c.l.bf16.f32 v19;
	v20 =	vtrunc.f32 v20;
	v24 =	vtrunc.f32 v24  }
0x92: {  	[tilespmem:s13+$0xC120] =	vst v17;
	v17 =	vpack.c.b32.b16 v21, v18;
	v18 =	vcvt.f32.s32 v20;
	v20 =	vcvt.f32.s32 v24  }
0x93: {  	v19 =	vtrunc.f32 v19;
	v21 =	vtrunc.f32 v25  }
0x94: {  	[tilespmem:s13+$0xC130] =	vst v17;
	v17 =	vpack.c.b32.b16 v20, v18;
	v18 =	vcvt.f32.s32 v19;
	v19 =	vcvt.f32.s32 v21  }
0x95: {  	v20 =	vmul.bf16 v26, v23;
	v21 =	vmul.bf16 v22, v23  }
0x96: {  	[tilespmem:s13+$0xC140] =	vst v17;
	v17 =	vpack.c.b32.b16 v19, v18;
	v18 =	vperm.xlane v16, v12;
	v19 =	vperm.xlane v16, v13  }
0x97: {  	v20 =	vtrunc.bf16 v20;
	v21 =	vtrunc.bf16 v21;
	v22 =	vld [tilespmem:s13+$0xA180]  }
0x98: {  	[tilespmem:s13+$0xC150] =	vst v17;
	v17 =	vunpack.c.u.bf16.f32 v20;
	v20 =	vunpack.c.l.bf16.f32 v20;
	v23 =	vunpack.c.u.bf16.f32 v21;
	v24 =	vld [tilespmem:s13+$0xA190]  }
0x99: {  	v21 =	vunpack.c.l.bf16.f32 v21;
	v18 =	vpack.i.f32.bf16 v18, v18;
	v19 =	vpack.i.f32.bf16 v19, v19;
	v25 =	vld [tilespmem:s13+$0xA1A0]  }
0x9a: {  	v20 =	vtrunc.f32 v20;
	v17 =	vtrunc.f32 v17;
	v26 =	vld [tilespmem:s13+$0xA1B0]  }
0x9b: {  	v20 =	vcvt.f32.s32 v20;
	v17 =	vcvt.f32.s32 v17  }
0x9c: {  	v21 =	vtrunc.f32 v21;
	v23 =	vtrunc.f32 v23  }
0x9d: {  	v17 =	vpack.c.b32.b16 v17, v20;
	v20 =	vcvt.f32.s32 v21;
	v21 =	vcvt.f32.s32 v23  }
0x9e: {  	v22 =	vmul.bf16 v22, v18;
	v18 =	vmul.bf16 v24, v18  }
0x9f: {  	[tilespmem:s13+$0xC160] =	vst v17;
	v17 =	vpack.c.b32.b16 v21, v20;
	v20 =	vmul.bf16 v25, v19;
	v19 =	vmul.bf16 v26, v19  }
0xa0: {  	v21 =	vtrunc.bf16 v22;
	v18 =	vtrunc.bf16 v18  }
0xa1: {  	v22 =	vunpack.c.u.bf16.f32 v18;
	[tilespmem:s13+$0xC170] =	vst v17;
	v17 =	vunpack.c.u.bf16.f32 v21;
	v21 =	vunpack.c.l.bf16.f32 v21  }
0xa2: {  	v18 =	vunpack.c.l.bf16.f32 v18;
	v20 =	vtrunc.bf16 v20;
	v19 =	vtrunc.bf16 v19  }
0xa3: {  	v23 =	vunpack.c.u.bf16.f32 v20;
	v21 =	vtrunc.f32 v21;
	v17 =	vtrunc.f32 v17  }
0xa4: {  	v20 =	vunpack.c.l.bf16.f32 v20;
	v21 =	vcvt.f32.s32 v21;
	v17 =	vcvt.f32.s32 v17  }
0xa5: {  	v18 =	vtrunc.f32 v18;
	v22 =	vtrunc.f32 v22;
	v24 =	vunpack.c.u.bf16.f32 v19  }
0xa6: {  	v18 =	vcvt.f32.s32 v18;
	v17 =	vpack.c.b32.b16 v17, v21;
	v21 =	vcvt.f32.s32 v22  }
0xa7: {  	v19 =	vunpack.c.l.bf16.f32 v19;
	v20 =	vtrunc.f32 v20;
	v22 =	vtrunc.f32 v23;
	v23 =	vld [tilespmem:s13+$0xA1C0]  }
0xa8: {  	[tilespmem:s13+$0xC180] =	vst v17;
	v17 =	vpack.c.b32.b16 v21, v18;
	v18 =	vcvt.f32.s32 v20;
	v20 =	vcvt.f32.s32 v22;
	v21 =	vld [tilespmem:s13+$0xA1D0]  }
0xa9: {  	v19 =	vtrunc.f32 v19;
	v22 =	vtrunc.f32 v24;
	v24 =	vld [tilespmem:s13+$0xA1E0]  }
0xaa: {  	[tilespmem:s13+$0xC190] =	vst v17;
	v17 =	vpack.c.b32.b16 v20, v18;
	v18 =	vcvt.f32.s32 v19;
	v19 =	vcvt.f32.s32 v22;
	v20 =	vld [tilespmem:s13+$0xA1F0]  }
0xab: {  	v22 =	vperm.xlane v16, v14;
	v16 =	vperm.xlane v16, v15  }
0xac: {  	[tilespmem:s13+$0xC1A0] =	vst v17;
	v17 =	vpack.c.b32.b16 v19, v18  }
0xad: {  	v18 =	vpack.i.f32.bf16 v22, v22;
	v16 =	vpack.i.f32.bf16 v16, v16  }
0xae: {  	[tilespmem:s13+$0xC1B0] =	vst v17;
	v17 =	vmul.bf16 v23, v18;
	v18 =	vmul.bf16 v21, v18  }
0xaf: {  	v19 =	vmul.bf16 v24, v16;
	v16 =	vmul.bf16 v20, v16  }
0xb0: {  	v17 =	vtrunc.bf16 v17;
	v18 =	vtrunc.bf16 v18  }
0xb1: {  	v20 =	vunpack.c.u.bf16.f32 v17;
	v17 =	vunpack.c.l.bf16.f32 v17;
	v21 =	vunpack.c.u.bf16.f32 v18  }
0xb2: {  	v19 =	vtrunc.bf16 v19;
	v18 =	vunpack.c.l.bf16.f32 v18;
	v16 =	vtrunc.bf16 v16  }
0xb3: {  	v22 =	vunpack.c.u.bf16.f32 v19;
	v17 =	vtrunc.f32 v17;
	v20 =	vtrunc.f32 v20  }
0xb4: {  	v19 =	vunpack.c.l.bf16.f32 v19;
	v17 =	vcvt.f32.s32 v17;
	v20 =	vcvt.f32.s32 v20  }
0xb5: {  	v23 =	vunpack.c.u.bf16.f32 v16;
	v18 =	vtrunc.f32 v18;
	v21 =	vtrunc.f32 v21  }
0xb6: {  	v18 =	vcvt.f32.s32 v18;
	v17 =	vpack.c.b32.b16 v20, v17;
	v20 =	vcvt.f32.s32 v21  }
0xb7: {  	v16 =	vunpack.c.l.bf16.f32 v16;
	v19 =	vtrunc.f32 v19;
	v21 =	vtrunc.f32 v22  }
0xb8: {  	[tilespmem:s13+$0xC1C0] =	vst v17;
	v17 =	vpack.c.b32.b16 v20, v18;
	v18 =	vcvt.f32.s32 v19;
	v19 =	vcvt.f32.s32 v21  }
0xb9: {  	v16 =	vtrunc.f32 v16;
	v20 =	vtrunc.f32 v23  }
0xba: {  	v16 =	vcvt.f32.s32 v16;
	[tilespmem:s13+$0xC1D0] =	vst v17;
	v17 =	vpack.c.b32.b16 v19, v18;
	v18 =	vcvt.f32.s32 v20  }
.Ltmp2:
0xbb: {  	(pc) =	sbr.rel @p2 .LBB2_3-.Ltmp2, $3  }
0xbc: {  	[tilespmem:s13+$0xC1E0] =	vst v17;
	v16 =	vpack.c.b32.b16 v18, v16;
	_ =	sdelay $0x1  }
0xbd: {  	s14 =	sadd.s32 $0x10, s14;
	[tilespmem:s13+$0xC1F0] =	vst v16  }
0xbe: {  	s13 =	sshra.s32 s0, $0x2;
	s0 =	sadd.s32 $0x800, s0;
	v16 =	vld [tilespmem:s14+$0x0]  }
0xbf: {  	v17 =	vld [tilespmem:s13+$0xA000]  }
0xc0: {  	v18 =	vld [tilespmem:s13+$0xA010]  }
0xc1: {  	v19 =	vld [tilespmem:s13+$0xA020]  }
0xc2: {  	v21 =	vld [tilespmem:s13+$0xA030]  }
0xc3: {  	v27 =	vld [tilespmem:s13+$0xA040]  }
0xc4: {  	v29 =	vld [tilespmem:s13+$0xA050];
	v20 =	vperm.xlane v16, v0;
	v22 =	vperm.xlane v16, v1  }
0xc5: {  	v30 =	vld [tilespmem:s13+$0xA060];
	v23 =	vperm.xlane v16, v2;
	v24 =	vperm.xlane v16, v3  }
0xc6: {  	v52 =	vld [tilespmem:s13+$0xA070];
	v25 =	vperm.xlane v16, v4;
	v45 =	vperm.xlane v16, v7;
	v20 =	vpack.i.f32.bf16 v20, v20  }
0xc7: {  	v47 =	vperm.xlane v16, v8;
	v22 =	vpack.i.f32.bf16 v22, v22;
	v17 =	vmul.bf16 v17, v20  }
0xc8: {  	v48 =	vpack.i.f32.bf16 v23, v23;
	v18 =	vmul.bf16 v18, v20;
	v19 =	vmul.bf16 v19, v22  }
0xc9: {  	v24 =	vpack.i.f32.bf16 v24, v24;
	v21 =	vmul.bf16 v21, v22;
	v27 =	vmul.bf16 v27, v48  }
0xca: {  	v20 =	vmul.bf16 v29, v48;
	v54 =	vmul.bf16 v30, v24  }
0xcb: {  	v63 =	vld [tilespmem:s13+$0xA090];
	v55 =	vmul.bf16 v52, v24;
	v29 =	vperm.xlane v16, v5  }
0xcc: {  	v30 =	vperm.xlane v16, v6;
	v48 =	vperm.xlane v16, v9  }
0xcd: {  	v17 =	vtrunc.bf16 v17;
	v18 =	vtrunc.bf16 v18  }
0xce: {  	v19 =	vtrunc.bf16 v19;
	v21 =	vtrunc.bf16 v21  }
0xcf: {  	v25 =	vpack.i.f32.bf16 v25, v25;
	v56 =	vtrunc.bf16 v27;
	v20 =	vtrunc.bf16 v20  }
0xd0: {  	v27 =	vmul.bf16 v63, v25;
	v49 =	vunpack.c.l.bf16.f32 v17;
	v17 =	vunpack.c.u.bf16.f32 v17  }
0xd1: {  	v50 =	vunpack.c.u.bf16.f32 v18;
	v18 =	vunpack.c.l.bf16.f32 v18;
	v26 =	vunpack.c.u.bf16.f32 v19  }
0xd2: {  	v19 =	vunpack.c.l.bf16.f32 v19;
	v28 =	vunpack.c.u.bf16.f32 v21;
	v22 =	vtrunc.f32 v49  }
0xd3: {  	v21 =	vunpack.c.l.bf16.f32 v21;
	v17 =	vtrunc.f32 v17;
	v18 =	vtrunc.f32 v18  }
0xd4: {  	v24 =	vunpack.c.l.bf16.f32 v56;
	v23 =	vtrunc.f32 v50;
	v19 =	vtrunc.f32 v19  }
0xd5: {  	v57 =	vunpack.c.u.bf16.f32 v56;
	v51 =	vtrunc.f32 v26;
	v21 =	vtrunc.f32 v21  }
0xd6: {  	v28 =	vtrunc.f32 v28;
	v58 =	vtrunc.f32 v24  }
0xd7: {  	v59 =	vtrunc.f32 v57;
	v49 =	vperm.xlane v16, v10  }
0xd8: {  	v22 =	vcvt.f32.s32 v22;
	v17 =	vcvt.f32.s32 v17  }
0xd9: {  	v18 =	vcvt.f32.s32 v18;
	v23 =	vcvt.f32.s32 v23  }
0xda: {  	v19 =	vcvt.f32.s32 v19;
	v21 =	vcvt.f32.s32 v21  }
0xdb: {  	v53 =	vcvt.f32.s32 v28;
	v28 =	vtrunc.bf16 v27  }
0xdc: {  	v24 =	vcvt.f32.s32 v59;
	v31 =	vunpack.c.u.bf16.f32 v28;
	v18 =	vpack.c.b32.b16 v23, v18  }
0xdd: {  	v17 =	vpack.c.b32.b16 v17, v22;
	v22 =	vcvt.f32.s32 v51;
	v23 =	vtrunc.bf16 v55  }
0xde: {  	v21 =	vpack.c.b32.b16 v53, v21;
	v61 =	vunpack.c.u.bf16.f32 v23;
	[tilespmem:s13+$0xC010] =	vst v18;
	v18 =	vunpack.c.l.bf16.f32 v20  }
0xdf: {  	v19 =	vpack.c.b32.b16 v22, v19;
	[tilespmem:s13+$0xC000] =	vst v17;
	v17 =	vunpack.c.u.bf16.f32 v20;
	v22 =	vtrunc.bf16 v54  }
0xe0: {  	v20 =	vcvt.f32.s32 v58;
	v60 =	vunpack.c.l.bf16.f32 v22;
	v18 =	vtrunc.f32 v18  }
0xe1: {  	[tilespmem:s13+$0xC020] =	vst v19;
	v19 =	vunpack.c.u.bf16.f32 v22;
	v17 =	vtrunc.f32 v17;
	v22 =	vtrunc.f32 v61  }
0xe2: {  	v20 =	vpack.c.b32.b16 v24, v20;
	v18 =	vcvt.f32.s32 v18;
	v17 =	vcvt.f32.s32 v17  }
0xe3: {  	v62 =	vld [tilespmem:s13+$0xA080];
	v23 =	vunpack.c.l.bf16.f32 v23;
	[tilespmem:s13+$0xC030] =	vst v21;
	v21 =	vtrunc.f32 v60;
	v24 =	vcvt.f32.s32 v22  }
0xe4: {  	v19 =	vtrunc.f32 v19;
	v21 =	vcvt.f32.s32 v21;
	[tilespmem:s13+$0xC040] =	vst v20;
	v20 =	vunpack.c.l.bf16.f32 v28  }
0xe5: {  	v40 =	vld [tilespmem:s13+$0xA0E0];
	v19 =	vcvt.f32.s32 v19;
	v17 =	vpack.c.b32.b16 v17, v18;
	v18 =	vtrunc.f32 v23  }
0xe6: {  	v23 =	vtrunc.f32 v31;
	v18 =	vcvt.f32.s32 v18  }
0xe7: {  	v60 =	vld [tilespmem:s13+$0xA140];
	v20 =	vtrunc.f32 v20;
	v23 =	vcvt.f32.s32 v23  }
0xe8: {  	v19 =	vpack.c.b32.b16 v19, v21;
	[tilespmem:s13+$0xC050] =	vst v17;
	v17 =	vmul.bf16 v62, v25;
	v20 =	vcvt.f32.s32 v20  }
0xe9: {  	v50 =	vperm.xlane v16, v11;
	v25 =	vpack.i.f32.bf16 v45, v45;
	v18 =	vpack.c.b32.b16 v24, v18  }
0xea: {  	[tilespmem:s13+$0xC060] =	vst v19;
	v17 =	vtrunc.bf16 v17;
	v19 =	vld [tilespmem:s13+$0xA0A0];
	v20 =	vpack.c.b32.b16 v23, v20;
	v23 =	vmul.bf16 v40, v25  }
0xeb: {  	v32 =	vld [tilespmem:s13+$0xA0B0];
	v27 =	vpack.i.f32.bf16 v49, v49;
	[tilespmem:s13+$0xC070] =	vst v18;
	v18 =	vunpack.c.u.bf16.f32 v17;
	v17 =	vunpack.c.l.bf16.f32 v17  }
0xec: {  	v33 =	vld [tilespmem:s13+$0xA0C0];
	v63 =	vmul.bf16 v60, v27;
	v23 =	vtrunc.bf16 v23  }
0xed: {  	v34 =	vld [tilespmem:s13+$0xA0D0];
	v21 =	vpack.i.f32.bf16 v29, v29;
	v17 =	vtrunc.f32 v17;
	v18 =	vtrunc.f32 v18  }
0xee: {  	v53 =	vunpack.c.u.bf16.f32 v23;
	v23 =	vunpack.c.l.bf16.f32 v23;
	v17 =	vcvt.f32.s32 v17  }
0xef: {  	v18 =	vcvt.f32.s32 v18;
	v19 =	vmul.bf16 v19, v21  }
0xf0: {  	v22 =	vpack.i.f32.bf16 v30, v30;
	v21 =	vmul.bf16 v32, v21;
	v55 =	vtrunc.f32 v23  }
0xf1: {  	v56 =	vtrunc.f32 v53;
	v17 =	vpack.c.b32.b16 v18, v17;
	v18 =	vmul.bf16 v33, v22  }
0xf2: {  	v22 =	vmul.bf16 v34, v22;
	v23 =	vcvt.f32.s32 v56  }
0xf3: {  	v19 =	vtrunc.bf16 v19;
	v21 =	vtrunc.bf16 v21  }
0xf4: {  	v35 =	vunpack.c.u.bf16.f32 v19;
	v19 =	vunpack.c.l.bf16.f32 v19;
	v18 =	vtrunc.bf16 v18  }
0xf5: {  	v36 =	vunpack.c.u.bf16.f32 v21;
	v21 =	vunpack.c.l.bf16.f32 v21;
	[tilespmem:s13+$0xC080] =	vst v17;
	v17 =	vtrunc.bf16 v22  }
0xf6: {  	v37 =	vunpack.c.l.bf16.f32 v18;
	v19 =	vtrunc.f32 v19;
	v24 =	vtrunc.f32 v35  }
0xf7: {  	v18 =	vunpack.c.u.bf16.f32 v18;
	v38 =	vtrunc.f32 v21;
	v39 =	vtrunc.f32 v36  }
0xf8: {  	v59 =	vld [tilespmem:s13+$0xA130];
	v41 =	vunpack.c.u.bf16.f32 v17;
	v19 =	vcvt.f32.s32 v19;
	v24 =	vcvt.f32.s32 v24  }
0xf9: {  	[tilespmem:s13+$0xC090] =	vst v20;
	v17 =	vunpack.c.l.bf16.f32 v17;
	v20 =	vcvt.f32.s32 v38;
	v21 =	vcvt.f32.s32 v39  }
0xfa: {  	v42 =	vld [tilespmem:s13+$0xA0F0];
	v22 =	vtrunc.f32 v37;
	v18 =	vtrunc.f32 v18  }
0xfb: {  	v44 =	vld [tilespmem:s13+$0xA100];
	v17 =	vtrunc.f32 v17;
	v43 =	vcvt.f32.s32 v22  }
0xfc: {  	v52 =	vpack.i.f32.bf16 v48, v48;
	v36 =	vld [tilespmem:s13+$0xA160];
	v18 =	vcvt.f32.s32 v18;
	v17 =	vcvt.f32.s32 v17  }
0xfd: {  	v22 =	vmul.bf16 v59, v52;
	v19 =	vpack.c.b32.b16 v24, v19;
	v24 =	vtrunc.f32 v41  }
0xfe: {  	v18 =	vpack.c.b32.b16 v18, v43;
	v46 =	vcvt.f32.s32 v24;
	v24 =	vpack.i.f32.bf16 v47, v47  }
0xff: {  	v30 =	vtrunc.bf16 v22;
	[tilespmem:s13+$0xC0A0] =	vst v19;
	v19 =	vpack.c.b32.b16 v21, v20;
	v20 =	vmul.bf16 v42, v25  }
0x100: {  	v28 =	vpack.i.f32.bf16 v50, v50;
	v43 =	vperm.xlane v16, v12;
	v51 =	vmul.bf16 v44, v24  }
0x101: {  	v61 =	vld [tilespmem:s13+$0xA150];
	v40 =	vmul.bf16 v36, v28;
	v17 =	vpack.c.b32.b16 v46, v17;
	[tilespmem:s13+$0xC0C0] =	vst v18;
	v20 =	vtrunc.bf16 v20  }
0x102: {  	[tilespmem:s13+$0xC0B0] =	vst v19;
	v21 =	vtrunc.bf16 v51;
	v54 =	vunpack.c.u.bf16.f32 v20;
	v18 =	vunpack.c.l.bf16.f32 v20  }
0x103: {  	v19 =	vld [tilespmem:s13+$0xA110];
	[tilespmem:s13+$0xC0D0] =	vst v17;
	v17 =	vunpack.c.u.bf16.f32 v21;
	v20 =	vcvt.f32.s32 v55;
	v21 =	vunpack.c.l.bf16.f32 v21  }
0x104: {  	v57 =	vld [tilespmem:s13+$0xA120];
	v18 =	vtrunc.f32 v18;
	v25 =	vtrunc.f32 v54  }
0x105: {  	v21 =	vtrunc.f32 v21;
	v17 =	vtrunc.f32 v17  }
0x106: {  	v20 =	vpack.c.b32.b16 v23, v20;
	v23 =	vmul.bf16 v61, v27;
	v18 =	vcvt.f32.s32 v18  }
0x107: {  	v25 =	vcvt.f32.s32 v25;
	v21 =	vcvt.f32.s32 v21  }
0x108: {  	v17 =	vcvt.f32.s32 v17;
	v19 =	vmul.bf16 v19, v24  }
0x109: {  	v24 =	vmul.bf16 v57, v52;
	v23 =	vtrunc.bf16 v23;
	v18 =	vpack.c.b32.b16 v25, v18  }
0x10a: {  	v17 =	vpack.c.b32.b16 v17, v21;
	v21 =	vtrunc.bf16 v63;
	v37 =	vunpack.c.l.bf16.f32 v23  }
0x10b: {  	v19 =	vtrunc.bf16 v19;
	v24 =	vtrunc.bf16 v24;
	v35 =	vunpack.c.l.bf16.f32 v21  }
0x10c: {  	[tilespmem:s13+$0xC0E0] =	vst v20;
	v21 =	vunpack.c.u.bf16.f32 v21;
	v58 =	vunpack.c.u.bf16.f32 v19;
	v19 =	vunpack.c.l.bf16.f32 v19  }
0x10d: {  	[tilespmem:s13+$0xC0F0] =	vst v18;
	v18 =	vunpack.c.l.bf16.f32 v30;
	v39 =	vtrunc.f32 v37;
	v20 =	vtrunc.f32 v35  }
0x10e: {  	[tilespmem:s13+$0xC100] =	vst v17;
	v17 =	vunpack.c.u.bf16.f32 v30;
	v21 =	vtrunc.f32 v21;
	v22 =	vcvt.f32.s32 v39  }
0x10f: {  	v19 =	vtrunc.f32 v19;
	v26 =	vtrunc.f32 v58  }
0x110: {  	v29 =	vunpack.c.l.bf16.f32 v24;
	v18 =	vtrunc.f32 v18;
	v17 =	vtrunc.f32 v17  }
0x111: {  	v38 =	vld [tilespmem:s13+$0xA170];
	v31 =	vunpack.c.u.bf16.f32 v24;
	v19 =	vcvt.f32.s32 v19;
	v62 =	vcvt.f32.s32 v26  }
0x112: {  	v23 =	vunpack.c.u.bf16.f32 v23;
	v18 =	vcvt.f32.s32 v18;
	v17 =	vcvt.f32.s32 v17  }
0x113: {  	v32 =	vtrunc.f32 v29;
	v33 =	vtrunc.f32 v31;
	v19 =	vpack.c.b32.b16 v62, v19  }
0x114: {  	v41 =	vld [tilespmem:s13+$0xA180];
	v20 =	vcvt.f32.s32 v20;
	v17 =	vpack.c.b32.b16 v17, v18;
	v18 =	vtrunc.f32 v23  }
0x115: {  	v44 =	vld [tilespmem:s13+$0xA190];
	v34 =	vcvt.f32.s32 v32;
	v18 =	vcvt.f32.s32 v18;
	[tilespmem:s13+$0xC110] =	vst v19  }
0x116: {  	v19 =	vcvt.f32.s32 v33;
	[tilespmem:s13+$0xC130] =	vst v17;
	v17 =	vmul.bf16 v38, v28  }
0x117: {  	v21 =	vcvt.f32.s32 v21;
	v58 =	vperm.xlane v16, v14  }
0x118: {  	v18 =	vpack.c.b32.b16 v18, v22;
	v19 =	vpack.c.b32.b16 v19, v34;
	v17 =	vtrunc.bf16 v17  }
0x119: {  	v22 =	vpack.i.f32.bf16 v43, v43;
	v45 =	vunpack.c.l.bf16.f32 v17;
	v17 =	vunpack.c.u.bf16.f32 v17  }
0x11a: {  	[tilespmem:s13+$0xC120] =	vst v19;
	v19 =	vpack.c.b32.b16 v21, v20;
	v20 =	vmul.bf16 v41, v22;
	v22 =	vmul.bf16 v44, v22  }
0x11b: {  	v24 =	vtrunc.f32 v45;
	v17 =	vtrunc.f32 v17  }
0x11c: {  	[tilespmem:s13+$0xC140] =	vst v19;
	v19 =	vtrunc.bf16 v40;
	v24 =	vcvt.f32.s32 v24  }
0x11d: {  	v17 =	vcvt.f32.s32 v17;
	v20 =	vtrunc.bf16 v20  }
0x11e: {  	v46 =	vld [tilespmem:s13+$0xA1A0];
	[tilespmem:s13+$0xC150] =	vst v18;
	v22 =	vtrunc.bf16 v22;
	v42 =	vunpack.c.l.bf16.f32 v19;
	v18 =	vunpack.c.u.bf16.f32 v19  }
0x11f: {  	v49 =	vld [tilespmem:s13+$0xA1B0];
	v19 =	vperm.xlane v16, v13;
	v47 =	vunpack.c.u.bf16.f32 v20;
	v20 =	vunpack.c.l.bf16.f32 v20  }
0x120: {  	v50 =	vunpack.c.u.bf16.f32 v22;
	v16 =	vperm.xlane v16, v15;
	v21 =	vtrunc.f32 v42  }
0x121: {  	v22 =	vunpack.c.l.bf16.f32 v22;
	v18 =	vtrunc.f32 v18;
	v20 =	vtrunc.f32 v20  }
0x122: {  	v53 =	vld [tilespmem:s13+$0xA1C0];
	v19 =	vpack.i.f32.bf16 v19, v19;
	v51 =	vtrunc.f32 v50;
	v21 =	vcvt.f32.s32 v21  }
0x123: {  	v17 =	vpack.c.b32.b16 v17, v24;
	v18 =	vcvt.f32.s32 v18;
	v48 =	vmul.bf16 v46, v19  }
0x124: {  	v20 =	vcvt.f32.s32 v20;
	v19 =	vmul.bf16 v49, v19  }
0x125: {  	v25 =	vpack.i.f32.bf16 v58, v58;
	[tilespmem:s13+$0xC170] =	vst v17;
	v17 =	vtrunc.f32 v22;
	v52 =	vcvt.f32.s32 v51  }
0x126: {  	v17 =	vcvt.f32.s32 v17;
	v18 =	vpack.c.b32.b16 v18, v21;
	v19 =	vtrunc.bf16 v19  }
0x127: {  	v54 =	vld [tilespmem:s13+$0xA1D0];
	v22 =	vmul.bf16 v53, v25;
	v21 =	vtrunc.f32 v47;
	v57 =	vunpack.c.l.bf16.f32 v19  }
0x128: {  	v56 =	vld [tilespmem:s13+$0xA1E0];
	v21 =	vcvt.f32.s32 v21;
	v17 =	vpack.c.b32.b16 v52, v17;
	[tilespmem:s13+$0xC160] =	vst v18;
	v18 =	vtrunc.bf16 v48  }
0x129: {  	v23 =	vunpack.c.l.bf16.f32 v18;
	v18 =	vunpack.c.u.bf16.f32 v18;
	v24 =	vtrunc.f32 v57  }
0x12a: {  	v20 =	vpack.c.b32.b16 v21, v20;
	[tilespmem:s13+$0xC190] =	vst v17;
	v17 =	vunpack.c.u.bf16.f32 v19;
	v24 =	vcvt.f32.s32 v24  }
0x12b: {  	v19 =	vld [tilespmem:s13+$0xA1F0];
	v55 =	vtrunc.f32 v23;
	v18 =	vtrunc.f32 v18  }
0x12c: {  	v16 =	vpack.i.f32.bf16 v16, v16;
	[tilespmem:s13+$0xC180] =	vst v20;
	v17 =	vtrunc.f32 v17;
	v20 =	vmul.bf16 v54, v25  }
0x12d: {  	v23 =	vmul.bf16 v56, v16;
	v21 =	vcvt.f32.s32 v55  }
0x12e: {  	v18 =	vcvt.f32.s32 v18;
	v17 =	vcvt.f32.s32 v17  }
0x12f: {  	v20 =	vtrunc.bf16 v20;
	v23 =	vtrunc.bf16 v23  }
0x130: {  	v16 =	vmul.bf16 v19, v16;
	v19 =	vtrunc.bf16 v22  }
0x131: {  	v60 =	vunpack.c.u.bf16.f32 v20;
	v20 =	vunpack.c.l.bf16.f32 v20;
	v61 =	vunpack.c.u.bf16.f32 v23  }
0x132: {  	v23 =	vunpack.c.l.bf16.f32 v23;
	v59 =	vunpack.c.u.bf16.f32 v19;
	v16 =	vtrunc.bf16 v16  }
0x133: {  	v19 =	vunpack.c.l.bf16.f32 v19;
	v20 =	vtrunc.f32 v20;
	v22 =	vtrunc.f32 v60  }
0x134: {  	v23 =	vtrunc.f32 v23;
	v25 =	vtrunc.f32 v61  }
0x135: {  	v18 =	vpack.c.b32.b16 v18, v21;
	v19 =	vtrunc.f32 v19;
	v21 =	vtrunc.f32 v59  }
0x136: {  	v62 =	vunpack.c.u.bf16.f32 v16;
	v20 =	vcvt.f32.s32 v20;
	v22 =	vcvt.f32.s32 v22  }
0x137: {  	v16 =	vunpack.c.l.bf16.f32 v16;
	v19 =	vcvt.f32.s32 v19;
	v21 =	vcvt.f32.s32 v21  }
0x138: {  	v17 =	vpack.c.b32.b16 v17, v24;
	v23 =	vcvt.f32.s32 v23;
	v63 =	vcvt.f32.s32 v25  }
0x139: {  	[tilespmem:s13+$0xC1A0] =	vst v18;
	v16 =	vtrunc.f32 v16;
	v18 =	vpack.c.b32.b16 v21, v19;
	v19 =	vtrunc.f32 v62  }
0x13a: {  	[tilespmem:s13+$0xC1B0] =	vst v17;
	v17 =	vpack.c.b32.b16 v22, v20;
	v16 =	vcvt.f32.s32 v16;
	v19 =	vcvt.f32.s32 v19  }
0x13b: {  	[tilespmem:s13+$0xC1C0] =	vst v18;
	v18 =	vpack.c.b32.b16 v63, v23  }
0x13c: {  	[tilespmem:s13+$0xC1D0] =	vst v17;
	v16 =	vpack.c.b32.b16 v19, v16  }
0x13d: {  	s0 =	sshra.s32 s1, $0x2;
	p2 =	seq.s32 s31, $0x4F;
	[tilespmem:s13+$0xC1E0] =	vst v18  }
0x13e: {  	s14 =	sadd.s32 $0x5000, s0;
	[tilespmem:s13+$0xC1F0] =	vst v16;
	s13 =	sshra.s32 @!p2 s1, $0x2  }
0x13f: {  	[spmem:s2] =	stream.indirect.scatter.add.s16 [tilespmem:s22], [sflag:$0x3], $0x20, s14, s18, $0xb8;
	[tilespmem:$0x17E20] =	vst v63  }
0x140: {  	s29 =	simm.s32 @!p2 $0xA000;
	s13 =	sadd.s32 @!p2 $0x100, s13;
	s14 =	simm.s32 @!p2 $0x80  }
0x141: {  	[tilespmem:s29], [sflag:$0x1] =	stream.indirect.gather @!p2 [hbm4b:s8+s14], $0x20, s13, s14, $0xb8;
	[tilespmem:$0x17E20] =	vst v63  }
0x142: {  	_ =	swait.ge [sflag:s23], $0x1000  }
0x143: {  	[sflag:s23] =	ssyncset.done $0x0  }
0x144: {  	s13 =	simm.s32 @!p1 $0x4;
	[sflag:s23] =	ssyncadd.s32 $0xFFFFF000  }
0x145: {  	_ =	swait.ge @!p1 [sflag:s13], $0x1000  }
0x146: {  	[sflag:s13] =	ssyncset.done @!p1 $0x0  }
0x147: {  	s1 =	sor.u32 $0x200, s1;
	[sflag:s13] =	ssyncadd.s32 @!p1 $0xFFFFF000  }
0x148: {  	s14 =	simm.s32 $0x800;
	s29 =	smov.u32 s19;
	s13 =	simm.s32 $0x0;
	v16 =	vld [tilespmem:s19+$0x0]  }
.LBB2_5:
0x149: {  	p1 =	sne.s32 s14, $0x3800;
	v17 =	vld [tilespmem:s13+$0xB000]  }
0x14a: {  	v18 =	vld [tilespmem:s13+$0xB010]  }
0x14b: {  	v19 =	vld [tilespmem:s13+$0xB020]  }
0x14c: {  	v20 =	vld [tilespmem:s13+$0xB030]  }
0x14d: {  	v21 =	vperm.xlane v16, v0;
	v22 =	vperm.xlane v16, v1  }
0x14e: {  	v23 =	vperm.xlane v16, v2;
	v24 =	vperm.xlane v16, v3  }
0x14f: {  	v25 =	vperm.xlane v16, v4;
	v21 =	vpack.i.f32.bf16 v21, v21;
	v22 =	vpack.i.f32.bf16 v22, v22  }
0x150: {  	v17 =	vmul.bf16 v17, v21;
	v18 =	vmul.bf16 v18, v21;
	v21 =	vpack.i.f32.bf16 v23, v23  }
0x151: {  	v19 =	vmul.bf16 v19, v22;
	v20 =	vmul.bf16 v20, v22;
	v22 =	vpack.i.f32.bf16 v24, v24  }
0x152: {  	v23 =	vpack.i.f32.bf16 v25, v25;
	v17 =	vtrunc.bf16 v17;
	v18 =	vtrunc.bf16 v18  }
0x153: {  	v24 =	vunpack.c.u.bf16.f32 v17;
	v17 =	vunpack.c.l.bf16.f32 v17;
	v25 =	vunpack.c.u.bf16.f32 v18  }
0x154: {  	v19 =	vtrunc.bf16 v19;
	v18 =	vunpack.c.l.bf16.f32 v18;
	v20 =	vtrunc.bf16 v20  }
0x155: {  	v26 =	vunpack.c.u.bf16.f32 v19;
	v17 =	vtrunc.f32 v17;
	v24 =	vtrunc.f32 v24  }
0x156: {  	v19 =	vunpack.c.l.bf16.f32 v19;
	v17 =	vcvt.f32.s32 v17;
	v24 =	vcvt.f32.s32 v24;
	v27 =	vld [tilespmem:s13+$0xB040]  }
0x157: {  	v28 =	vunpack.c.u.bf16.f32 v20;
	v18 =	vtrunc.f32 v18;
	v25 =	vtrunc.f32 v25;
	v29 =	vld [tilespmem:s13+$0xB050]  }
0x158: {  	v18 =	vcvt.f32.s32 v18;
	v17 =	vpack.c.b32.b16 v24, v17;
	v24 =	vcvt.f32.s32 v25;
	v25 =	vld [tilespmem:s13+$0xB060]  }
0x159: {  	v20 =	vunpack.c.l.bf16.f32 v20;
	v19 =	vtrunc.f32 v19;
	v26 =	vtrunc.f32 v26;
	v30 =	vld [tilespmem:s13+$0xB070]  }
0x15a: {  	[tilespmem:s13+$0xD000] =	vst v17;
	v17 =	vpack.c.b32.b16 v24, v18;
	v18 =	vcvt.f32.s32 v19;
	v19 =	vcvt.f32.s32 v26  }
0x15b: {  	v20 =	vtrunc.f32 v20;
	v24 =	vtrunc.f32 v28  }
0x15c: {  	[tilespmem:s13+$0xD010] =	vst v17;
	v17 =	vpack.c.b32.b16 v19, v18;
	v18 =	vcvt.f32.s32 v20;
	v19 =	vcvt.f32.s32 v24  }
0x15d: {  	v20 =	vmul.bf16 v27, v21;
	v21 =	vmul.bf16 v29, v21  }
0x15e: {  	[tilespmem:s13+$0xD020] =	vst v17;
	v17 =	vpack.c.b32.b16 v19, v18;
	v18 =	vmul.bf16 v25, v22;
	v19 =	vmul.bf16 v30, v22  }
0x15f: {  	v20 =	vtrunc.bf16 v20;
	v21 =	vtrunc.bf16 v21  }
0x160: {  	v22 =	vunpack.c.u.bf16.f32 v21;
	[tilespmem:s13+$0xD030] =	vst v17;
	v17 =	vunpack.c.u.bf16.f32 v20;
	v20 =	vunpack.c.l.bf16.f32 v20  }
0x161: {  	v21 =	vunpack.c.l.bf16.f32 v21;
	v18 =	vtrunc.bf16 v18;
	v19 =	vtrunc.bf16 v19  }
0x162: {  	v24 =	vunpack.c.u.bf16.f32 v18;
	v20 =	vtrunc.f32 v20;
	v17 =	vtrunc.f32 v17  }
0x163: {  	v18 =	vunpack.c.l.bf16.f32 v18;
	v20 =	vcvt.f32.s32 v20;
	v17 =	vcvt.f32.s32 v17  }
0x164: {  	v21 =	vtrunc.f32 v21;
	v22 =	vtrunc.f32 v22;
	v25 =	vunpack.c.u.bf16.f32 v19;
	v26 =	vld [tilespmem:s13+$0xB080]  }
0x165: {  	v17 =	vpack.c.b32.b16 v17, v20;
	v20 =	vcvt.f32.s32 v21;
	v21 =	vcvt.f32.s32 v22;
	v22 =	vld [tilespmem:s13+$0xB090]  }
0x166: {  	v19 =	vunpack.c.l.bf16.f32 v19;
	v18 =	vtrunc.f32 v18;
	v24 =	vtrunc.f32 v24  }
0x167: {  	v18 =	vcvt.f32.s32 v18;
	[tilespmem:s13+$0xD040] =	vst v17;
	v17 =	vpack.c.b32.b16 v21, v20;
	v20 =	vcvt.f32.s32 v24  }
0x168: {  	v19 =	vtrunc.f32 v19;
	v21 =	vtrunc.f32 v25  }
0x169: {  	[tilespmem:s13+$0xD050] =	vst v17;
	v17 =	vpack.c.b32.b16 v20, v18;
	v18 =	vcvt.f32.s32 v19;
	v19 =	vcvt.f32.s32 v21  }
0x16a: {  	v20 =	vmul.bf16 v26, v23;
	v21 =	vmul.bf16 v22, v23  }
0x16b: {  	[tilespmem:s13+$0xD060] =	vst v17;
	v17 =	vpack.c.b32.b16 v19, v18;
	v18 =	vperm.xlane v16, v5;
	v19 =	vperm.xlane v16, v6  }
0x16c: {  	v20 =	vtrunc.bf16 v20;
	v21 =	vtrunc.bf16 v21;
	v22 =	vld [tilespmem:s13+$0xB0A0]  }
0x16d: {  	[tilespmem:s13+$0xD070] =	vst v17;
	v17 =	vunpack.c.u.bf16.f32 v20;
	v20 =	vunpack.c.l.bf16.f32 v20;
	v23 =	vunpack.c.u.bf16.f32 v21;
	v24 =	vld [tilespmem:s13+$0xB0B0]  }
0x16e: {  	v21 =	vunpack.c.l.bf16.f32 v21;
	v18 =	vpack.i.f32.bf16 v18, v18;
	v19 =	vpack.i.f32.bf16 v19, v19;
	v25 =	vld [tilespmem:s13+$0xB0C0]  }
0x16f: {  	v20 =	vtrunc.f32 v20;
	v17 =	vtrunc.f32 v17;
	v26 =	vld [tilespmem:s13+$0xB0D0]  }
0x170: {  	v20 =	vcvt.f32.s32 v20;
	v17 =	vcvt.f32.s32 v17  }
0x171: {  	v21 =	vtrunc.f32 v21;
	v23 =	vtrunc.f32 v23  }
0x172: {  	v17 =	vpack.c.b32.b16 v17, v20;
	v20 =	vcvt.f32.s32 v21;
	v21 =	vcvt.f32.s32 v23  }
0x173: {  	v22 =	vmul.bf16 v22, v18;
	v18 =	vmul.bf16 v24, v18  }
0x174: {  	[tilespmem:s13+$0xD080] =	vst v17;
	v17 =	vpack.c.b32.b16 v21, v20;
	v20 =	vmul.bf16 v25, v19;
	v19 =	vmul.bf16 v26, v19  }
0x175: {  	v21 =	vtrunc.bf16 v22;
	v18 =	vtrunc.bf16 v18  }
0x176: {  	v22 =	vunpack.c.u.bf16.f32 v18;
	[tilespmem:s13+$0xD090] =	vst v17;
	v17 =	vunpack.c.u.bf16.f32 v21;
	v21 =	vunpack.c.l.bf16.f32 v21  }
0x177: {  	v18 =	vunpack.c.l.bf16.f32 v18;
	v20 =	vtrunc.bf16 v20;
	v19 =	vtrunc.bf16 v19  }
0x178: {  	v23 =	vunpack.c.u.bf16.f32 v20;
	v21 =	vtrunc.f32 v21;
	v17 =	vtrunc.f32 v17  }
0x179: {  	v20 =	vunpack.c.l.bf16.f32 v20;
	v21 =	vcvt.f32.s32 v21;
	v17 =	vcvt.f32.s32 v17  }
0x17a: {  	v18 =	vtrunc.f32 v18;
	v22 =	vtrunc.f32 v22;
	v24 =	vunpack.c.u.bf16.f32 v19  }
0x17b: {  	v18 =	vcvt.f32.s32 v18;
	v17 =	vpack.c.b32.b16 v17, v21;
	v21 =	vcvt.f32.s32 v22  }
0x17c: {  	v19 =	vunpack.c.l.bf16.f32 v19;
	v20 =	vtrunc.f32 v20;
	v22 =	vtrunc.f32 v23;
	v23 =	vld [tilespmem:s13+$0xB0E0]  }
0x17d: {  	[tilespmem:s13+$0xD0A0] =	vst v17;
	v17 =	vpack.c.b32.b16 v21, v18;
	v18 =	vcvt.f32.s32 v20;
	v20 =	vcvt.f32.s32 v22;
	v21 =	vld [tilespmem:s13+$0xB0F0]  }
0x17e: {  	v19 =	vtrunc.f32 v19;
	v22 =	vtrunc.f32 v24;
	v24 =	vld [tilespmem:s13+$0xB100]  }
0x17f: {  	[tilespmem:s13+$0xD0B0] =	vst v17;
	v17 =	vpack.c.b32.b16 v20, v18;
	v18 =	vcvt.f32.s32 v19;
	v19 =	vcvt.f32.s32 v22;
	v20 =	vld [tilespmem:s13+$0xB110]  }
0x180: {  	v25 =	vperm.xlane v16, v8;
	v22 =	vperm.xlane v16, v7  }
0x181: {  	[tilespmem:s13+$0xD0C0] =	vst v17;
	v17 =	vpack.c.b32.b16 v19, v18;
	v18 =	vperm.xlane v16, v9;
	v19 =	vperm.xlane v16, v10  }
0x182: {  	v26 =	vperm.xlane v16, v11;
	v25 =	vpack.i.f32.bf16 v25, v25;
	v22 =	vpack.i.f32.bf16 v22, v22  }
0x183: {  	v21 =	vmul.bf16 v21, v22;
	[tilespmem:s13+$0xD0D0] =	vst v17;
	v17 =	vmul.bf16 v23, v22;
	v18 =	vpack.i.f32.bf16 v18, v18  }
0x184: {  	v22 =	vmul.bf16 v24, v25;
	v19 =	vpack.i.f32.bf16 v19, v19;
	v20 =	vmul.bf16 v20, v25  }
0x185: {  	v23 =	vpack.i.f32.bf16 v26, v26;
	v21 =	vtrunc.bf16 v21;
	v17 =	vtrunc.bf16 v17  }
0x186: {  	v25 =	vunpack.c.u.bf16.f32 v21;
	v24 =	vunpack.c.u.bf16.f32 v17;
	v17 =	vunpack.c.l.bf16.f32 v17  }
0x187: {  	v21 =	vunpack.c.l.bf16.f32 v21;
	v22 =	vtrunc.bf16 v22;
	v20 =	vtrunc.bf16 v20  }
0x188: {  	v26 =	vunpack.c.u.bf16.f32 v22;
	v17 =	vtrunc.f32 v17;
	v24 =	vtrunc.f32 v24  }
0x189: {  	v22 =	vunpack.c.l.bf16.f32 v22;
	v17 =	vcvt.f32.s32 v17;
	v24 =	vcvt.f32.s32 v24;
	v27 =	vld [tilespmem:s13+$0xB120]  }
0x18a: {  	v21 =	vtrunc.f32 v21;
	v25 =	vtrunc.f32 v25;
	v28 =	vunpack.c.u.bf16.f32 v20;
	v29 =	vld [tilespmem:s13+$0xB130]  }
0x18b: {  	v21 =	vcvt.f32.s32 v21;
	v17 =	vpack.c.b32.b16 v24, v17;
	v24 =	vcvt.f32.s32 v25;
	v25 =	vld [tilespmem:s13+$0xB140]  }
0x18c: {  	v20 =	vunpack.c.l.bf16.f32 v20;
	v22 =	vtrunc.f32 v22;
	v26 =	vtrunc.f32 v26;
	v30 =	vld [tilespmem:s13+$0xB150]  }
0x18d: {  	[tilespmem:s13+$0xD0E0] =	vst v17;
	v17 =	vpack.c.b32.b16 v24, v21;
	v21 =	vcvt.f32.s32 v22;
	v22 =	vcvt.f32.s32 v26  }
0x18e: {  	v20 =	vtrunc.f32 v20;
	v24 =	vtrunc.f32 v28  }
0x18f: {  	v20 =	vcvt.f32.s32 v20;
	[tilespmem:s13+$0xD0F0] =	vst v17;
	v17 =	vpack.c.b32.b16 v22, v21;
	v21 =	vcvt.f32.s32 v24  }
0x190: {  	v22 =	vmul.bf16 v27, v18;
	v18 =	vmul.bf16 v29, v18  }
0x191: {  	[tilespmem:s13+$0xD100] =	vst v17;
	v17 =	vpack.c.b32.b16 v21, v20;
	v20 =	vmul.bf16 v25, v19;
	v19 =	vmul.bf16 v30, v19  }
0x192: {  	v21 =	vtrunc.bf16 v22;
	v18 =	vtrunc.bf16 v18  }
0x193: {  	v22 =	vunpack.c.u.bf16.f32 v18;
	[tilespmem:s13+$0xD110] =	vst v17;
	v17 =	vunpack.c.u.bf16.f32 v21;
	v21 =	vunpack.c.l.bf16.f32 v21  }
0x194: {  	v18 =	vunpack.c.l.bf16.f32 v18;
	v20 =	vtrunc.bf16 v20;
	v19 =	vtrunc.bf16 v19  }
0x195: {  	v24 =	vunpack.c.u.bf16.f32 v20;
	v21 =	vtrunc.f32 v21;
	v17 =	vtrunc.f32 v17  }
0x196: {  	v20 =	vunpack.c.l.bf16.f32 v20;
	v21 =	vcvt.f32.s32 v21;
	v17 =	vcvt.f32.s32 v17  }
0x197: {  	v18 =	vtrunc.f32 v18;
	v22 =	vtrunc.f32 v22;
	v25 =	vunpack.c.u.bf16.f32 v19;
	v26 =	vld [tilespmem:s13+$0xB160]  }
0x198: {  	v18 =	vcvt.f32.s32 v18;
	v17 =	vpack.c.b32.b16 v17, v21;
	v21 =	vcvt.f32.s32 v22;
	v22 =	vld [tilespmem:s13+$0xB170]  }
0x199: {  	v19 =	vunpack.c.l.bf16.f32 v19;
	v20 =	vtrunc.f32 v20;
	v24 =	vtrunc.f32 v24  }
0x19a: {  	[tilespmem:s13+$0xD120] =	vst v17;
	v17 =	vpack.c.b32.b16 v21, v18;
	v18 =	vcvt.f32.s32 v20;
	v20 =	vcvt.f32.s32 v24  }
0x19b: {  	v19 =	vtrunc.f32 v19;
	v21 =	vtrunc.f32 v25  }
0x19c: {  	[tilespmem:s13+$0xD130] =	vst v17;
	v17 =	vpack.c.b32.b16 v20, v18;
	v18 =	vcvt.f32.s32 v19;
	v19 =	vcvt.f32.s32 v21  }
0x19d: {  	v20 =	vmul.bf16 v26, v23;
	v21 =	vmul.bf16 v22, v23  }
0x19e: {  	[tilespmem:s13+$0xD140] =	vst v17;
	v17 =	vpack.c.b32.b16 v19, v18;
	v18 =	vperm.xlane v16, v12;
	v19 =	vperm.xlane v16, v13  }
0x19f: {  	v20 =	vtrunc.bf16 v20;
	v21 =	vtrunc.bf16 v21;
	v22 =	vld [tilespmem:s13+$0xB180]  }
0x1a0: {  	[tilespmem:s13+$0xD150] =	vst v17;
	v17 =	vunpack.c.u.bf16.f32 v20;
	v20 =	vunpack.c.l.bf16.f32 v20;
	v23 =	vunpack.c.u.bf16.f32 v21;
	v24 =	vld [tilespmem:s13+$0xB190]  }
0x1a1: {  	v21 =	vunpack.c.l.bf16.f32 v21;
	v18 =	vpack.i.f32.bf16 v18, v18;
	v19 =	vpack.i.f32.bf16 v19, v19;
	v25 =	vld [tilespmem:s13+$0xB1A0]  }
0x1a2: {  	v20 =	vtrunc.f32 v20;
	v17 =	vtrunc.f32 v17;
	v26 =	vld [tilespmem:s13+$0xB1B0]  }
0x1a3: {  	v20 =	vcvt.f32.s32 v20;
	v17 =	vcvt.f32.s32 v17  }
0x1a4: {  	v21 =	vtrunc.f32 v21;
	v23 =	vtrunc.f32 v23  }
0x1a5: {  	v17 =	vpack.c.b32.b16 v17, v20;
	v20 =	vcvt.f32.s32 v21;
	v21 =	vcvt.f32.s32 v23  }
0x1a6: {  	v22 =	vmul.bf16 v22, v18;
	v18 =	vmul.bf16 v24, v18  }
0x1a7: {  	[tilespmem:s13+$0xD160] =	vst v17;
	v17 =	vpack.c.b32.b16 v21, v20;
	v20 =	vmul.bf16 v25, v19;
	v19 =	vmul.bf16 v26, v19  }
0x1a8: {  	v21 =	vtrunc.bf16 v22;
	v18 =	vtrunc.bf16 v18  }
0x1a9: {  	v22 =	vunpack.c.u.bf16.f32 v18;
	[tilespmem:s13+$0xD170] =	vst v17;
	v17 =	vunpack.c.u.bf16.f32 v21;
	v21 =	vunpack.c.l.bf16.f32 v21  }
0x1aa: {  	v18 =	vunpack.c.l.bf16.f32 v18;
	v20 =	vtrunc.bf16 v20;
	v19 =	vtrunc.bf16 v19  }
0x1ab: {  	v23 =	vunpack.c.u.bf16.f32 v20;
	v21 =	vtrunc.f32 v21;
	v17 =	vtrunc.f32 v17  }
0x1ac: {  	v20 =	vunpack.c.l.bf16.f32 v20;
	v21 =	vcvt.f32.s32 v21;
	v17 =	vcvt.f32.s32 v17  }
0x1ad: {  	v18 =	vtrunc.f32 v18;
	v22 =	vtrunc.f32 v22;
	v24 =	vunpack.c.u.bf16.f32 v19  }
0x1ae: {  	v18 =	vcvt.f32.s32 v18;
	v17 =	vpack.c.b32.b16 v17, v21;
	v21 =	vcvt.f32.s32 v22  }
0x1af: {  	v19 =	vunpack.c.l.bf16.f32 v19;
	v20 =	vtrunc.f32 v20;
	v22 =	vtrunc.f32 v23;
	v23 =	vld [tilespmem:s13+$0xB1C0]  }
0x1b0: {  	[tilespmem:s13+$0xD180] =	vst v17;
	v17 =	vpack.c.b32.b16 v21, v18;
	v18 =	vcvt.f32.s32 v20;
	v20 =	vcvt.f32.s32 v22;
	v21 =	vld [tilespmem:s13+$0xB1D0]  }
0x1b1: {  	v19 =	vtrunc.f32 v19;
	v22 =	vtrunc.f32 v24;
	v24 =	vld [tilespmem:s13+$0xB1E0]  }
0x1b2: {  	[tilespmem:s13+$0xD190] =	vst v17;
	v17 =	vpack.c.b32.b16 v20, v18;
	v18 =	vcvt.f32.s32 v19;
	v19 =	vcvt.f32.s32 v22;
	v20 =	vld [tilespmem:s13+$0xB1F0]  }
0x1b3: {  	v22 =	vperm.xlane v16, v14;
	v16 =	vperm.xlane v16, v15  }
0x1b4: {  	[tilespmem:s13+$0xD1A0] =	vst v17;
	v17 =	vpack.c.b32.b16 v19, v18  }
0x1b5: {  	v18 =	vpack.i.f32.bf16 v22, v22;
	v16 =	vpack.i.f32.bf16 v16, v16  }
0x1b6: {  	[tilespmem:s13+$0xD1B0] =	vst v17;
	v17 =	vmul.bf16 v23, v18;
	v18 =	vmul.bf16 v21, v18  }
0x1b7: {  	v19 =	vmul.bf16 v24, v16;
	v16 =	vmul.bf16 v20, v16  }
0x1b8: {  	v17 =	vtrunc.bf16 v17;
	v18 =	vtrunc.bf16 v18  }
0x1b9: {  	v20 =	vunpack.c.u.bf16.f32 v17;
	v17 =	vunpack.c.l.bf16.f32 v17;
	v21 =	vunpack.c.u.bf16.f32 v18  }
0x1ba: {  	v19 =	vtrunc.bf16 v19;
	v18 =	vunpack.c.l.bf16.f32 v18;
	v16 =	vtrunc.bf16 v16  }
0x1bb: {  	v22 =	vunpack.c.u.bf16.f32 v19;
	v17 =	vtrunc.f32 v17;
	v20 =	vtrunc.f32 v20  }
0x1bc: {  	v19 =	vunpack.c.l.bf16.f32 v19;
	v17 =	vcvt.f32.s32 v17;
	v20 =	vcvt.f32.s32 v20  }
0x1bd: {  	v23 =	vunpack.c.u.bf16.f32 v16;
	v18 =	vtrunc.f32 v18;
	v21 =	vtrunc.f32 v21  }
0x1be: {  	v18 =	vcvt.f32.s32 v18;
	v17 =	vpack.c.b32.b16 v20, v17;
	v20 =	vcvt.f32.s32 v21  }
0x1bf: {  	v16 =	vunpack.c.l.bf16.f32 v16;
	v19 =	vtrunc.f32 v19;
	v21 =	vtrunc.f32 v22  }
0x1c0: {  	[tilespmem:s13+$0xD1C0] =	vst v17;
	v17 =	vpack.c.b32.b16 v20, v18;
	v18 =	vcvt.f32.s32 v19;
	v19 =	vcvt.f32.s32 v21  }
0x1c1: {  	v16 =	vtrunc.f32 v16;
	v20 =	vtrunc.f32 v23  }
0x1c2: {  	v16 =	vcvt.f32.s32 v16;
	[tilespmem:s13+$0xD1D0] =	vst v17;
	v17 =	vpack.c.b32.b16 v19, v18;
	v18 =	vcvt.f32.s32 v20  }
.Ltmp3:
0x1c3: {  	(pc) =	sbr.rel @p1 .LBB2_5-.Ltmp3, $3  }
0x1c4: {  	[tilespmem:s13+$0xD1E0] =	vst v17;
	v16 =	vpack.c.b32.b16 v18, v16;
	_ =	sdelay $0x1  }
0x1c5: {  	s29 =	sadd.s32 $0x10, s29;
	[tilespmem:s13+$0xD1F0] =	vst v16  }
0x1c6: {  	s13 =	sshra.s32 s14, $0x2;
	s14 =	sadd.s32 $0x800, s14;
	v16 =	vld [tilespmem:s29+$0x0]  }
0x1c7: {  	v17 =	vld [tilespmem:s13+$0xB000]  }
0x1c8: {  	v18 =	vld [tilespmem:s13+$0xB010]  }
0x1c9: {  	v19 =	vld [tilespmem:s13+$0xB020]  }
0x1ca: {  	v21 =	vld [tilespmem:s13+$0xB030]  }
0x1cb: {  	v27 =	vld [tilespmem:s13+$0xB040]  }
0x1cc: {  	v29 =	vld [tilespmem:s13+$0xB050];
	v20 =	vperm.xlane v16, v0;
	v22 =	vperm.xlane v16, v1  }
0x1cd: {  	v30 =	vld [tilespmem:s13+$0xB060];
	v23 =	vperm.xlane v16, v2;
	v24 =	vperm.xlane v16, v3  }
0x1ce: {  	v38 =	vld [tilespmem:s13+$0xB090];
	v25 =	vperm.xlane v16, v4;
	v45 =	vperm.xlane v16, v5;
	v20 =	vpack.i.f32.bf16 v20, v20  }
0x1cf: {  	v46 =	vperm.xlane v16, v6;
	v22 =	vpack.i.f32.bf16 v22, v22;
	v17 =	vmul.bf16 v17, v20  }
0x1d0: {  	v57 =	vpack.i.f32.bf16 v23, v23;
	v18 =	vmul.bf16 v18, v20;
	v19 =	vmul.bf16 v19, v22  }
0x1d1: {  	v24 =	vpack.i.f32.bf16 v24, v24;
	v21 =	vmul.bf16 v21, v22;
	v27 =	vmul.bf16 v27, v57  }
0x1d2: {  	v25 =	vpack.i.f32.bf16 v25, v25;
	v20 =	vmul.bf16 v29, v57;
	v63 =	vmul.bf16 v30, v24  }
0x1d3: {  	v41 =	vmul.bf16 v38, v25;
	v17 =	vtrunc.bf16 v17  }
0x1d4: {  	v18 =	vtrunc.bf16 v18;
	v19 =	vtrunc.bf16 v19  }
0x1d5: {  	v21 =	vtrunc.bf16 v21;
	v29 =	vtrunc.bf16 v27  }
0x1d6: {  	v20 =	vtrunc.bf16 v20;
	v43 =	vtrunc.bf16 v41  }
0x1d7: {  	v58 =	vunpack.c.l.bf16.f32 v17;
	v17 =	vunpack.c.u.bf16.f32 v17;
	v59 =	vunpack.c.u.bf16.f32 v18  }
0x1d8: {  	v18 =	vunpack.c.l.bf16.f32 v18;
	v26 =	vunpack.c.u.bf16.f32 v19;
	v19 =	vunpack.c.l.bf16.f32 v19  }
0x1d9: {  	v28 =	vunpack.c.u.bf16.f32 v21;
	v22 =	vtrunc.f32 v58;
	v17 =	vtrunc.f32 v17  }
0x1da: {  	v21 =	vunpack.c.l.bf16.f32 v21;
	v18 =	vtrunc.f32 v18;
	v23 =	vtrunc.f32 v59  }
0x1db: {  	v61 =	vld [tilespmem:s13+$0xB070];
	v30 =	vunpack.c.u.bf16.f32 v29;
	v19 =	vtrunc.f32 v19;
	v60 =	vtrunc.f32 v26  }
0x1dc: {  	v21 =	vtrunc.f32 v21;
	v28 =	vtrunc.f32 v28  }
0x1dd: {  	v33 =	vtrunc.f32 v30;
	v22 =	vcvt.f32.s32 v22  }
0x1de: {  	v17 =	vcvt.f32.s32 v17;
	v18 =	vcvt.f32.s32 v18  }
0x1df: {  	v23 =	vcvt.f32.s32 v23;
	v19 =	vcvt.f32.s32 v19  }
0x1e0: {  	v62 =	vcvt.f32.s32 v28;
	v28 =	vmul.bf16 v61, v24  }
0x1e1: {  	v21 =	vcvt.f32.s32 v21;
	v24 =	vunpack.c.l.bf16.f32 v29;
	v17 =	vpack.c.b32.b16 v17, v22  }
0x1e2: {  	v22 =	vcvt.f32.s32 v60;
	v18 =	vpack.c.b32.b16 v23, v18;
	v23 =	vtrunc.bf16 v28  }
0x1e3: {  	v31 =	vunpack.c.l.bf16.f32 v20;
	v32 =	vtrunc.f32 v24;
	v24 =	vcvt.f32.s32 v33  }
0x1e4: {  	v36 =	vunpack.c.u.bf16.f32 v23;
	v23 =	vunpack.c.l.bf16.f32 v23;
	v19 =	vpack.c.b32.b16 v22, v19  }
0x1e5: {  	[tilespmem:s13+$0xD000] =	vst v17;
	v17 =	vunpack.c.u.bf16.f32 v20;
	v22 =	vtrunc.bf16 v63;
	v20 =	vcvt.f32.s32 v32  }
0x1e6: {  	v47 =	vunpack.c.u.bf16.f32 v43;
	[tilespmem:s13+$0xD010] =	vst v18;
	v18 =	vtrunc.f32 v31;
	v32 =	vperm.xlane v16, v7  }
0x1e7: {  	v49 =	vld [tilespmem:s13+$0xB0C0];
	v34 =	vunpack.c.u.bf16.f32 v22;
	v18 =	vcvt.f32.s32 v18;
	v39 =	vtrunc.f32 v23  }
0x1e8: {  	v50 =	vld [tilespmem:s13+$0xB0D0];
	v35 =	vunpack.c.l.bf16.f32 v22;
	v22 =	vtrunc.f32 v36;
	v23 =	vtrunc.f32 v47  }
0x1e9: {  	v21 =	vpack.c.b32.b16 v62, v21;
	v36 =	vperm.xlane v16, v10;
	v17 =	vtrunc.f32 v17  }
0x1ea: {  	v40 =	vcvt.f32.s32 v22;
	v23 =	vcvt.f32.s32 v23  }
0x1eb: {  	[tilespmem:s13+$0xD030] =	vst v21;
	v22 =	vpack.i.f32.bf16 v46, v46;
	v17 =	vcvt.f32.s32 v17;
	v21 =	vtrunc.f32 v35  }
0x1ec: {  	[tilespmem:s13+$0xD020] =	vst v19;
	v19 =	vtrunc.f32 v34;
	v51 =	vmul.bf16 v49, v22  }
0x1ed: {  	v37 =	vld [tilespmem:s13+$0xB080];
	v20 =	vpack.c.b32.b16 v24, v20;
	v22 =	vmul.bf16 v50, v22;
	v34 =	vperm.xlane v16, v8  }
0x1ee: {  	v42 =	vld [tilespmem:s13+$0xB0A0];
	v35 =	vperm.xlane v16, v9;
	v21 =	vcvt.f32.s32 v21  }
0x1ef: {  	v48 =	vld [tilespmem:s13+$0xB0B0];
	v19 =	vcvt.f32.s32 v19;
	[tilespmem:s13+$0xD040] =	vst v20;
	v20 =	vunpack.c.l.bf16.f32 v43;
	v17 =	vpack.c.b32.b16 v17, v18  }
0x1f0: {  	v57 =	vld [tilespmem:s13+$0xB0E0];
	v18 =	vcvt.f32.s32 v39;
	v39 =	vpack.i.f32.bf16 v35, v35;
	v35 =	vperm.xlane v16, v12  }
0x1f1: {  	v19 =	vpack.c.b32.b16 v19, v21;
	v21 =	vpack.i.f32.bf16 v45, v45;
	v20 =	vtrunc.f32 v20  }
0x1f2: {  	[tilespmem:s13+$0xD050] =	vst v17;
	v17 =	vmul.bf16 v37, v25;
	v18 =	vpack.c.b32.b16 v40, v18;
	v20 =	vcvt.f32.s32 v20  }
0x1f3: {  	v25 =	vpack.i.f32.bf16 v32, v32;
	v37 =	vperm.xlane v16, v11;
	[tilespmem:s13+$0xD060] =	vst v19;
	v19 =	vmul.bf16 v42, v21  }
0x1f4: {  	v21 =	vmul.bf16 v48, v21;
	v17 =	vtrunc.bf16 v17;
	v20 =	vpack.c.b32.b16 v23, v20  }
0x1f5: {  	v23 =	vmul.bf16 v57, v25;
	v28 =	vpack.i.f32.bf16 v37, v37;
	v37 =	vperm.xlane v16, v13  }
0x1f6: {  	v44 =	vunpack.c.u.bf16.f32 v17;
	v17 =	vunpack.c.l.bf16.f32 v17;
	v19 =	vtrunc.bf16 v19  }
0x1f7: {  	v21 =	vtrunc.bf16 v21;
	v52 =	vunpack.c.u.bf16.f32 v19;
	v19 =	vunpack.c.l.bf16.f32 v19  }
0x1f8: {  	v53 =	vunpack.c.u.bf16.f32 v21;
	v23 =	vtrunc.bf16 v23;
	v17 =	vtrunc.f32 v17  }
0x1f9: {  	[tilespmem:s13+$0xD070] =	vst v18;
	v21 =	vunpack.c.l.bf16.f32 v21;
	v18 =	vtrunc.f32 v44;
	v17 =	vcvt.f32.s32 v17  }
0x1fa: {  	v18 =	vcvt.f32.s32 v18;
	v19 =	vtrunc.f32 v19  }
0x1fb: {  	v48 =	vld [tilespmem:s13+$0xB140];
	v40 =	vunpack.c.u.bf16.f32 v23;
	v24 =	vtrunc.f32 v52;
	v55 =	vtrunc.f32 v21  }
0x1fc: {  	v60 =	vld [tilespmem:s13+$0xB0F0];
	v23 =	vunpack.c.l.bf16.f32 v23;
	v56 =	vtrunc.f32 v53;
	v19 =	vcvt.f32.s32 v19  }
0x1fd: {  	[tilespmem:s13+$0xD090] =	vst v20;
	v24 =	vcvt.f32.s32 v24;
	v20 =	vcvt.f32.s32 v55  }
0x1fe: {  	v27 =	vpack.i.f32.bf16 v36, v36;
	v21 =	vcvt.f32.s32 v56;
	v43 =	vtrunc.f32 v23  }
0x1ff: {  	v44 =	vtrunc.f32 v40;
	v17 =	vpack.c.b32.b16 v18, v17;
	v18 =	vtrunc.bf16 v51  }
0x200: {  	v23 =	vcvt.f32.s32 v44;
	v51 =	vmul.bf16 v48, v27;
	v54 =	vunpack.c.l.bf16.f32 v18  }
0x201: {  	v47 =	vld [tilespmem:s13+$0xB130];
	v18 =	vunpack.c.u.bf16.f32 v18;
	v59 =	vpack.c.b32.b16 v21, v20;
	v20 =	vmul.bf16 v60, v25  }
0x202: {  	[tilespmem:s13+$0xD080] =	vst v17;
	v17 =	vtrunc.bf16 v22;
	v22 =	vtrunc.f32 v54  }
0x203: {  	v62 =	vld [tilespmem:s13+$0xB100];
	v58 =	vunpack.c.u.bf16.f32 v17;
	v18 =	vtrunc.f32 v18;
	v20 =	vtrunc.bf16 v20  }
0x204: {  	v49 =	vld [tilespmem:s13+$0xB150];
	v17 =	vunpack.c.l.bf16.f32 v17;
	v61 =	vcvt.f32.s32 v22;
	v18 =	vcvt.f32.s32 v18  }
0x205: {  	v63 =	vld [tilespmem:s13+$0xB110];
	v41 =	vunpack.c.u.bf16.f32 v20;
	v42 =	vunpack.c.l.bf16.f32 v20;
	v20 =	vcvt.f32.s32 v43  }
0x206: {  	v45 =	vld [tilespmem:s13+$0xB120];
	v22 =	vmul.bf16 v47, v39;
	v17 =	vtrunc.f32 v17  }
0x207: {  	v19 =	vpack.c.b32.b16 v24, v19;
	v24 =	vtrunc.f32 v58;
	v17 =	vcvt.f32.s32 v17  }
0x208: {  	v33 =	vcvt.f32.s32 v24;
	v24 =	vpack.i.f32.bf16 v34, v34;
	v25 =	vtrunc.f32 v41  }
0x209: {  	v20 =	vpack.c.b32.b16 v23, v20;
	v23 =	vmul.bf16 v49, v27;
	v53 =	vtrunc.bf16 v22  }
0x20a: {  	[tilespmem:s13+$0xD0A0] =	vst v19;
	v18 =	vpack.c.b32.b16 v18, v61;
	v38 =	vmul.bf16 v62, v24;
	v19 =	vmul.bf16 v63, v24  }
0x20b: {  	v25 =	vcvt.f32.s32 v25;
	v24 =	vmul.bf16 v45, v39  }
0x20c: {  	v61 =	vld [tilespmem:s13+$0xB160];
	[tilespmem:s13+$0xD0C0] =	vst v18;
	v18 =	vtrunc.f32 v42;
	v23 =	vtrunc.bf16 v23  }
0x20d: {  	v17 =	vpack.c.b32.b16 v33, v17;
	v21 =	vtrunc.bf16 v38;
	v19 =	vtrunc.bf16 v19  }
0x20e: {  	v18 =	vcvt.f32.s32 v18;
	v24 =	vtrunc.bf16 v24;
	v62 =	vunpack.c.l.bf16.f32 v23  }
0x20f: {  	v23 =	vunpack.c.u.bf16.f32 v23;
	[tilespmem:s13+$0xD0D0] =	vst v17;
	v17 =	vunpack.c.u.bf16.f32 v21;
	v21 =	vunpack.c.l.bf16.f32 v21  }
0x210: {  	v46 =	vunpack.c.u.bf16.f32 v19;
	v19 =	vunpack.c.l.bf16.f32 v19;
	v27 =	vtrunc.f32 v62  }
0x211: {  	v52 =	vunpack.c.l.bf16.f32 v24;
	v29 =	vtrunc.f32 v23;
	v31 =	vmul.bf16 v61, v28  }
0x212: {  	v54 =	vunpack.c.u.bf16.f32 v24;
	v21 =	vtrunc.f32 v21;
	v17 =	vtrunc.f32 v17  }
0x213: {  	v19 =	vtrunc.f32 v19;
	v26 =	vtrunc.f32 v46  }
0x214: {  	v56 =	vtrunc.f32 v52;
	v57 =	vtrunc.f32 v54  }
0x215: {  	v22 =	vcvt.f32.s32 v27;
	v54 =	vperm.xlane v16, v14  }
0x216: {  	v16 =	vperm.xlane v16, v15;
	v21 =	vcvt.f32.s32 v21  }
0x217: {  	v55 =	vunpack.c.l.bf16.f32 v53;
	v17 =	vcvt.f32.s32 v17;
	v19 =	vcvt.f32.s32 v19  }
0x218: {  	[tilespmem:s13+$0xD0B0] =	vst v59;
	v18 =	vpack.c.b32.b16 v25, v18;
	v50 =	vcvt.f32.s32 v26;
	v58 =	vcvt.f32.s32 v56  }
0x219: {  	[tilespmem:s13+$0xD0E0] =	vst v20;
	v59 =	vcvt.f32.s32 v57;
	v17 =	vpack.c.b32.b16 v17, v21;
	v21 =	vtrunc.bf16 v51  }
0x21a: {  	v40 =	vld [tilespmem:s13+$0xB1A0];
	[tilespmem:s13+$0xD0F0] =	vst v18;
	v18 =	vtrunc.f32 v55;
	v19 =	vpack.c.b32.b16 v50, v19;
	v60 =	vunpack.c.l.bf16.f32 v21  }
0x21b: {  	v43 =	vld [tilespmem:s13+$0xB1B0];
	v32 =	vtrunc.bf16 v31;
	v21 =	vunpack.c.u.bf16.f32 v21;
	[tilespmem:s13+$0xD100] =	vst v17;
	v17 =	vunpack.c.u.bf16.f32 v53  }
0x21c: {  	v18 =	vcvt.f32.s32 v18;
	[tilespmem:s13+$0xD110] =	vst v19;
	v19 =	vpack.c.b32.b16 v59, v58;
	v20 =	vtrunc.f32 v60  }
0x21d: {  	v63 =	vld [tilespmem:s13+$0xB170];
	v34 =	vunpack.c.l.bf16.f32 v32;
	v21 =	vtrunc.f32 v21;
	v17 =	vtrunc.f32 v17  }
0x21e: {  	v33 =	vld [tilespmem:s13+$0xB180];
	v20 =	vcvt.f32.s32 v20;
	v21 =	vcvt.f32.s32 v21;
	[tilespmem:s13+$0xD120] =	vst v19;
	v19 =	vpack.i.f32.bf16 v37, v37  }
0x21f: {  	v38 =	vld [tilespmem:s13+$0xB190];
	v17 =	vcvt.f32.s32 v17;
	v42 =	vmul.bf16 v40, v19  }
0x220: {  	v51 =	vld [tilespmem:s13+$0xB1E0];
	v19 =	vmul.bf16 v43, v19;
	v30 =	vpack.c.b32.b16 v21, v20;
	v21 =	vtrunc.f32 v34  }
0x221: {  	v53 =	vld [tilespmem:s13+$0xB1F0];
	v17 =	vpack.c.b32.b16 v17, v18;
	v18 =	vcvt.f32.s32 v29;
	v21 =	vcvt.f32.s32 v21  }
0x222: {  	v45 =	vtrunc.bf16 v42;
	v19 =	vtrunc.bf16 v19  }
0x223: {  	v23 =	vunpack.c.l.bf16.f32 v45;
	v18 =	vpack.c.b32.b16 v18, v22;
	v22 =	vpack.i.f32.bf16 v35, v35  }
0x224: {  	v36 =	vunpack.c.u.bf16.f32 v32;
	[tilespmem:s13+$0xD130] =	vst v17;
	v17 =	vmul.bf16 v63, v28;
	v20 =	vmul.bf16 v33, v22  }
0x225: {  	v16 =	vpack.i.f32.bf16 v16, v16;
	v22 =	vmul.bf16 v38, v22;
	v50 =	vtrunc.f32 v23  }
0x226: {  	v23 =	vmul.bf16 v51, v16;
	v16 =	vmul.bf16 v53, v16  }
0x227: {  	v17 =	vtrunc.bf16 v17;
	[tilespmem:s13+$0xD150] =	vst v18;
	v18 =	vtrunc.f32 v36  }
0x228: {  	v39 =	vunpack.c.l.bf16.f32 v17;
	v18 =	vcvt.f32.s32 v18;
	v20 =	vtrunc.bf16 v20  }
0x229: {  	v17 =	vunpack.c.u.bf16.f32 v17;
	v22 =	vtrunc.bf16 v22;
	v23 =	vtrunc.bf16 v23  }
0x22a: {  	v16 =	vtrunc.bf16 v16;
	v41 =	vunpack.c.u.bf16.f32 v20;
	v20 =	vunpack.c.l.bf16.f32 v20  }
0x22b: {  	v44 =	vunpack.c.u.bf16.f32 v22;
	v58 =	vunpack.c.u.bf16.f32 v23;
	v23 =	vunpack.c.l.bf16.f32 v23  }
0x22c: {  	v59 =	vunpack.c.u.bf16.f32 v16;
	v24 =	vtrunc.f32 v39;
	v17 =	vtrunc.f32 v17  }
0x22d: {  	v16 =	vunpack.c.l.bf16.f32 v16;
	v24 =	vcvt.f32.s32 v24;
	v17 =	vcvt.f32.s32 v17  }
0x22e: {  	v18 =	vpack.c.b32.b16 v18, v21;
	v20 =	vtrunc.f32 v20;
	v21 =	vtrunc.f32 v41  }
0x22f: {  	v25 =	vpack.i.f32.bf16 v54, v54;
	v46 =	vtrunc.f32 v44;
	v23 =	vtrunc.f32 v23  }
0x230: {  	v48 =	vld [tilespmem:s13+$0xB1C0];
	v52 =	vunpack.c.l.bf16.f32 v19;
	v16 =	vtrunc.f32 v16;
	v62 =	vtrunc.f32 v59  }
0x231: {  	v49 =	vld [tilespmem:s13+$0xB1D0];
	v20 =	vcvt.f32.s32 v20;
	v21 =	vcvt.f32.s32 v21;
	[tilespmem:s13+$0xD160] =	vst v18;
	v18 =	vunpack.c.u.bf16.f32 v45  }
0x232: {  	v22 =	vunpack.c.l.bf16.f32 v22;
	v47 =	vcvt.f32.s32 v46;
	v23 =	vcvt.f32.s32 v23  }
0x233: {  	v17 =	vpack.c.b32.b16 v17, v24;
	v24 =	vtrunc.f32 v52;
	v18 =	vtrunc.f32 v18  }
0x234: {  	v20 =	vpack.c.b32.b16 v21, v20;
	v21 =	vcvt.f32.s32 v50;
	v24 =	vcvt.f32.s32 v24  }
0x235: {  	[tilespmem:s13+$0xD170] =	vst v17;
	v17 =	vtrunc.f32 v22;
	v22 =	vmul.bf16 v48, v25  }
0x236: {  	v17 =	vcvt.f32.s32 v17;
	[tilespmem:s13+$0xD180] =	vst v20;
	v20 =	vmul.bf16 v49, v25  }
0x237: {  	v18 =	vcvt.f32.s32 v18;
	v55 =	vtrunc.bf16 v22  }
0x238: {  	v17 =	vpack.c.b32.b16 v47, v17;
	v20 =	vtrunc.bf16 v20;
	v56 =	vunpack.c.u.bf16.f32 v55  }
0x239: {  	v25 =	vtrunc.f32 v58;
	v18 =	vpack.c.b32.b16 v18, v21;
	v57 =	vunpack.c.u.bf16.f32 v20  }
0x23a: {  	v20 =	vunpack.c.l.bf16.f32 v20;
	[tilespmem:s13+$0xD190] =	vst v17;
	v17 =	vunpack.c.u.bf16.f32 v19;
	v21 =	vtrunc.f32 v56  }
0x23b: {  	v60 =	vcvt.f32.s32 v25;
	v19 =	vunpack.c.l.bf16.f32 v55;
	v21 =	vcvt.f32.s32 v21  }
0x23c: {  	v20 =	vtrunc.f32 v20;
	v17 =	vtrunc.f32 v17  }
0x23d: {  	v19 =	vtrunc.f32 v19;
	v17 =	vcvt.f32.s32 v17  }
0x23e: {  	[tilespmem:s13+$0xD140] =	vst v30;
	v63 =	vpack.c.b32.b16 v60, v23;
	v22 =	vtrunc.f32 v57;
	v19 =	vcvt.f32.s32 v19  }
0x23f: {  	[tilespmem:s13+$0xD1A0] =	vst v18;
	v20 =	vcvt.f32.s32 v20;
	v22 =	vcvt.f32.s32 v22;
	v17 =	vpack.c.b32.b16 v17, v24  }
0x240: {  	v16 =	vcvt.f32.s32 v16;
	[tilespmem:s13+$0xD1E0] =	vst v63;
	v61 =	vpack.c.b32.b16 v21, v19;
	v19 =	vcvt.f32.s32 v62  }
.Ltmp4:
0x241: {  	[tilespmem:s13+$0xD1B0] =	vst v17;
	v17 =	vpack.c.b32.b16 v22, v20;
	(pc) =	sbr.rel @p2 .LBB2_8-.Ltmp4, $4  }
0x242: {  	[tilespmem:s13+$0xD1C0] =	vst v61;
	v16 =	vpack.c.b32.b16 v19, v16  }
0x243: {  	s1 =	sshra.s32 s1, $0x2;
	[tilespmem:s13+$0xD1D0] =	vst v17  }
0x244: {  	s1 =	sadd.s32 $0x5000, s1;
	[tilespmem:s13+$0xD1F0] =	vst v16  }
0x245: {  	[spmem:s2] =	stream.indirect.scatter.add.s16 [tilespmem:s24], [sflag:$0x4], $0x20, s1, s18, $0xb8;
	[tilespmem:$0x17E20] =	vst v63  }
.Ltmp5:
0x246: {  	(pc) =	sbr.rel .LBB2_2-.Ltmp5, $4  }
0x247: {  	_ = 	snop  }
0x248: {  	s0 =	sadd.s32 $0x180, s0  }
0x249: {  	s31 =	sadd.s32 $0x1, s31;
	s30 =	sadd.s32 $0x100, s30;
	s19 =	sadd.s32 $0x100, s19  }
0x24a: {  	[tilespmem:s20], [sflag:$0x2] =	stream.indirect.gather [hbm4b:s8+s18], $0x20, s0, s18, $0xb8;
	[tilespmem:$0x17E20] =	vst v63  }
.LBB2_9:
0x24b: {  	_ =	sfence.sel $0x180000  }
0x24c: {  	[bflag:$0x0] =	sbarrier.arrive $0xFFFF  }
0x24d: {  	_ =	strace $0x90000047  }
0x24e: {  	s0 =	stileid.u32;
	[bflag:$0x2] =	sbarrier.arrive $0xFFFF  }
0x24f: {  	p0 =	sne.s32 s0, $0x0;
	s0 =	rddreg [dreg:$0x3]  }
0x250: {  	s0 =	sadd.s32 @!p0 $0x100000, s0  }
0x251: {  	[sflag:s0] =	ssyncadd.tile.s32 @!p0 $0x1;
	_ =	shalt  }
.Lfunc_end2:
_tile_overlayer_lowered:
.L_overlay_start_2:
0x252: {  	(tag) =	ssettag $0x2  }
0x253: {  	s0 =	rddreg [dreg:$0x0];
	s2 =	stileid.u32  }
0x254: {  	s1 =	rddreg [dreg:$0x1];
	p0 =	sne.s32 s2, $0x0  }
0x255: {  	s3 =	rddreg [dreg:$0x2];
	[bflag:$0x3] =	sbarrier.arrive $0xFFFF;
	s2 =	simm.s32 @!p0 $0x1C05  }
0x256: {  	[timem:s3], [sflag:s2] =	dma.local @!p0 [hbm:s0], s1  }
0x257: {  	s0 =	simm.s32 @!p0 $0x5  }
0x258: {  	_ =	swait.ge @!p0 [sflag:s0], s1  }
0x259: {  	s1 =	ssub.s32 @!p0 $0x0, s1;
	[sflag:s0] =	ssyncset.done @!p0 $0x0  }
0x25a: {  	[sflag:s0] =	ssyncadd.s32 @!p0 s1  }
0x25b: {  	[bflag:$0x3] =	sbarrier.arrive $0xFFFF  }
0x25c: {  	_ =	shalt  }

</sc_bundles>
